<compile_context>
chip_gen: v7x
topology: tpu7x:2x2x1
jax: 0.10.2.dev20260603
libtpu: 0.0.44.dev20260713+nightly
codegen_flags: <defaults>
</compile_context>

<pallas_src>
import jax
import jax.numpy as jnp
from jax import lax
from jax.experimental import pallas as pl
from jax.experimental.pallas import tpu as pltpu
from jax.experimental.pallas import tpu_sc as plsc

_B, _V, _D, _E, _K, _H = 64, 100000, 256, 64, 2048, 32
_EPS = 1e-8

_NC, _NS = 2, 16
_NW = _NC * _NS
_CPW = _B * _K // _NW
_STAGE = 512
_NST = _CPW // _STAGE


def _worker_id():
    return lax.axis_index("s") * _NC + lax.axis_index("c")


def _sc_gather_body(ids_hbm, logits_hbm, table_hbm, emb_hbm, lg_hbm,
                    ids_v, fidx_v, emb_v, lg_v,
                    gsem0, gsem1, lsem0, lsem1, oesem0, oesem1,
                    olsem0, olsem1):
    w = _worker_id()
    base = w * _CPW
    pltpu.sync_copy(ids_hbm.at[pl.ds(base * 1, _CPW)], ids_v)

    row0 = base // _K

    def fill_fidx(i, _):
        r = i * 16 // _K
        off = (row0 + r) * _V
        fidx_v[pl.ds(i * 16, 16)] = ids_v[pl.ds(i * 16, 16)] + off
        return 0

    lax.fori_loop(0, _CPW // 16, fill_fidx, 0, unroll=8)

    gsems = (gsem0, gsem1)
    lsems = (lsem0, lsem1)
    oesems = (oesem0, oesem1)
    olsems = (olsem0, olsem1)

    def fire_stage(s, b):
        off = s * _STAGE
        pltpu.async_copy(
            table_hbm.at[ids_v.at[pl.ds(off, _STAGE)]], emb_v.at[b], gsems[b])
        pltpu.async_copy(
            logits_hbm.at[fidx_v.at[pl.ds(off, _STAGE)]], lg_v.at[b], lsems[b])

    def wait_stage(s, b):
        off = s * _STAGE
        pltpu.make_async_copy(
            table_hbm.at[ids_v.at[pl.ds(off, _STAGE)]], emb_v.at[b],
            gsems[b]).wait()
        pltpu.make_async_copy(
            logits_hbm.at[fidx_v.at[pl.ds(off, _STAGE)]], lg_v.at[b],
            lsems[b]).wait()

    def out_stage(s, b):
        pltpu.async_copy(
            emb_v.at[b], emb_hbm.at[pl.ds(base + s * _STAGE, _STAGE), :],
            oesems[b])
        pltpu.async_copy(
            lg_v.at[b], lg_hbm.at[pl.ds(base + s * _STAGE, _STAGE)], olsems[b])

    def wait_out(s, b):
        pltpu.make_async_copy(
            emb_v.at[b], emb_hbm.at[pl.ds(base + s * _STAGE, _STAGE), :],
            oesems[b]).wait()
        pltpu.make_async_copy(
            lg_v.at[b], lg_hbm.at[pl.ds(base + s * _STAGE, _STAGE)],
            olsems[b]).wait()

    fire_stage(0, 0)

    def outer(o, _):
        for b2 in range(2):
            s = o * 2 + b2
            nb = (b2 + 1) % 2

            @pl.when(s + 1 < _NST)
            def _():
                @pl.when(s + 1 >= 2)
                def _():
                    wait_out(s - 1, nb)
                fire_stage(s + 1, nb)

            wait_stage(s, b2)
            out_stage(s, b2)
        return 0

    lax.fori_loop(0, _NST // 2, outer, 0)
    wait_out(_NST - 2, 0)
    wait_out(_NST - 1, 1)


_sc_gather = pl.kernel(
    _sc_gather_body,
    out_type=(
        jax.ShapeDtypeStruct((_B * _K, _E), jnp.float32),
        jax.ShapeDtypeStruct((_B * _K,), jnp.float32),
    ),
    mesh=plsc.VectorSubcoreMesh(core_axis_name="c", subcore_axis_name="s"),
    compiler_params=pltpu.CompilerParams(use_tc_tiling_on_sc=False),
    scratch_types=[
        pltpu.VMEM((_CPW,), jnp.int32),
        pltpu.VMEM((_CPW,), jnp.int32),
        pltpu.VMEM((2, _STAGE, _E), jnp.float32),
        pltpu.VMEM((2, _STAGE), jnp.float32),
        pltpu.SemaphoreType.DMA,
        pltpu.SemaphoreType.DMA,
        pltpu.SemaphoreType.DMA,
        pltpu.SemaphoreType.DMA,
        pltpu.SemaphoreType.DMA,
        pltpu.SemaphoreType.DMA,
        pltpu.SemaphoreType.DMA,
        pltpu.SemaphoreType.DMA,
    ],
)


_RPB = 8


def _tc_dense_body(logits_ref, dec_ref, g1_ref, gb1_ref, g2_ref, gb2_ref,
                   out_ref, m_ref, s_ref, pg_ref):
    x = logits_ref[...]
    m = jnp.max(x, axis=-1, keepdims=True)
    ex = jnp.exp(x - m)
    s = jnp.sum(ex, axis=-1, keepdims=True)

    dec = dec_ref[...]
    hg = jnp.maximum(
        jnp.dot(dec, g1_ref[...], preferred_element_type=jnp.float32)
        + gb1_ref[...], 0.0)
    pg = jax.nn.sigmoid(
        jnp.dot(hg, g2_ref[...], preferred_element_type=jnp.float32)
        + gb2_ref[...])

    out_ref[...] = jnp.log((1.0 - pg) * ex / s + _EPS)
    m_ref[...] = m
    s_ref[...] = s
    pg_ref[...] = pg


_tc_dense = pl.pallas_call(
    _tc_dense_body,
    grid=(_B // _RPB,),
    in_specs=[
        pl.BlockSpec((_RPB, _V), lambda i: (i, 0)),
        pl.BlockSpec((_RPB, _D), lambda i: (i, 0)),
        pl.BlockSpec((_D, _H), lambda i: (0, 0)),
        pl.BlockSpec((1, _H), lambda i: (0, 0)),
        pl.BlockSpec((_H, 1), lambda i: (0, 0)),
        pl.BlockSpec((1, 1), lambda i: (0, 0)),
    ],
    out_specs=[
        pl.BlockSpec((_RPB, _V), lambda i: (i, 0)),
        pl.BlockSpec((_RPB, 1), lambda i: (i, 0)),
        pl.BlockSpec((_RPB, 1), lambda i: (i, 0)),
        pl.BlockSpec((_RPB, 1), lambda i: (i, 0)),
    ],
    out_shape=[
        jax.ShapeDtypeStruct((_B, _V), jnp.float32),
        jax.ShapeDtypeStruct((_B, 1), jnp.float32),
        jax.ShapeDtypeStruct((_B, 1), jnp.float32),
        jax.ShapeDtypeStruct((_B, 1), jnp.float32),
    ],
)


def _tc_mlp_body(dec_ref, emb_ref, lg_ref, m_ref, s_ref, pg_ref,
                 w1_ref, b1_ref, w2t_ref, b2_ref, vals_ref):
    dec = dec_ref[...]
    m = m_ref[...]
    s = s_ref[...]
    pg = pg_ref[...]

    w1 = w1_ref[...]
    embf = emb_ref[...]
    dpart = jnp.dot(dec, w1[:_D], preferred_element_type=jnp.float32)
    h0 = (jnp.dot(embf, w1[_D:], preferred_element_type=jnp.float32)
          + b1_ref[...])
    h3 = jnp.maximum(h0.reshape(_RPB, _K, _H) + dpart[:, None, :], 0.0)
    sc = (jnp.sum(h3 * w2t_ref[...][None], axis=-1)
          + b2_ref[...])
    sm = jnp.max(sc, axis=-1, keepdims=True)
    pe = jnp.exp(sc - sm)
    p = pe / jnp.sum(pe, axis=-1, keepdims=True)

    vals_ref[...] = jnp.log(
        (1.0 - pg) * jnp.exp(lg_ref[...] - m) / s + pg * p + _EPS)


_tc_mlp = pl.pallas_call(
    _tc_mlp_body,
    grid=(_B // _RPB,),
    in_specs=[
        pl.BlockSpec((_RPB, _D), lambda i: (i, 0)),
        pl.BlockSpec((_RPB * _K, _E), lambda i: (i, 0)),
        pl.BlockSpec((_RPB, _K), lambda i: (i, 0)),
        pl.BlockSpec((_RPB, 1), lambda i: (i, 0)),
        pl.BlockSpec((_RPB, 1), lambda i: (i, 0)),
        pl.BlockSpec((_RPB, 1), lambda i: (i, 0)),
        pl.BlockSpec((_D + _E, _H), lambda i: (0, 0)),
        pl.BlockSpec((1, _H), lambda i: (0, 0)),
        pl.BlockSpec((1, _H), lambda i: (0, 0)),
        pl.BlockSpec((1, 1), lambda i: (0, 0)),
    ],
    out_specs=pl.BlockSpec((_RPB, _K), lambda i: (i, 0)),
    out_shape=jax.ShapeDtypeStruct((_B, _K), jnp.float32),
)


def _sc_scatter_body(ids_hbm, vals_hbm, out_ref, ids_v, idx2_v, val_v, sem):
    w = _worker_id()
    base = w * _CPW
    pltpu.sync_copy(ids_hbm.at[pl.ds(base * 1, _CPW)], ids_v)
    pltpu.sync_copy(vals_hbm.at[pl.ds(base * 1, _CPW)], val_v)

    row0 = base // _K

    def fill(i, _):
        r = i * 16 // _K
        off = (row0 + r) * _V
        idx2_v[pl.ds(i * 16, 16)] = ids_v[pl.ds(i * 16, 16)] + off
        return 0

    lax.fori_loop(0, _CPW // 16, fill, 0, unroll=8)

    pltpu.async_copy(val_v, out_ref.at[idx2_v], sem).wait()


_sc_scatter = pl.kernel(
    _sc_scatter_body,
    out_type=(),
    mesh=plsc.VectorSubcoreMesh(core_axis_name="c", subcore_axis_name="s"),
    scratch_types=[
        pltpu.VMEM((_CPW,), jnp.int32),
        pltpu.VMEM((_CPW,), jnp.int32),
        pltpu.VMEM((_CPW,), jnp.float32),
        pltpu.SemaphoreType.DMA,
    ],
)


def kernel(original_logits, decoder_state, valid_ids, bias_table,
           W1, b1, W2, b2, G1, g1, G2, g2):
    ids_flat = valid_ids.reshape(-1)
    logits_flat = original_logits.reshape(-1)
    emb, lg = _sc_gather(ids_flat, logits_flat, bias_table)
    out, m, s, pg = _tc_dense(
        original_logits, decoder_state, G1, g1.reshape(1, _H), G2,
        g2.reshape(1, 1))
    vals = _tc_mlp(
        decoder_state, emb, lg.reshape(_B, _K), m, s, pg, W1,
        b1.reshape(1, _H), W2.reshape(1, _H), b2.reshape(1, 1))
    buf = jax.new_ref(out.reshape(-1))
    _sc_scatter(ids_flat, vals.reshape(-1), buf)
    return buf[...].reshape(_B, _V)

# --- scband reference (transcript-rebuilt; emitter-appended) ---
"""Pipeline reference for scband-tcpgen-34978213659206 (READ-ONLY COPY).

The authoritative reference and input builder live on the scoring server;
editing this copy changes nothing except your own understanding.
"""

import jax, jax.numpy as jnp
import numpy as np

B = 64
V = 100000
D = 256
E = 64
K = 2048
H = 32
THRESHOLD = 0.5


def setup_inputs(seed: int = 0) -> dict:
    key = jax.random.key(seed)
    ks = jax.random.split(key, 10)
    original_logits = jax.random.normal(ks[0], (B, V), dtype=jnp.float32)
    decoder_state = jax.random.normal(ks[1], (B, D), dtype=jnp.float32)
    valid_ids = jax.random.randint(ks[2], (B, K), 0, V, dtype=jnp.int32)
    bias_table = jax.random.normal(ks[3], (V, E), dtype=jnp.float32) * 0.02
    W1 = jax.random.normal(ks[4], (D + E, H), dtype=jnp.float32) * 0.05
    b1 = jnp.zeros((H,), dtype=jnp.float32)
    W2 = jax.random.normal(ks[5], (H, 1), dtype=jnp.float32) * 0.05
    b2 = jnp.zeros((1,), dtype=jnp.float32)
    G1 = jax.random.normal(ks[6], (D, H), dtype=jnp.float32) * 0.05
    g1 = jnp.zeros((H,), dtype=jnp.float32)
    G2 = jax.random.normal(ks[7], (H, 1), dtype=jnp.float32) * 0.05
    g2 = jnp.zeros((1,), dtype=jnp.float32)
    return {
        "original_logits": original_logits,
        "decoder_state": decoder_state,
        "valid_ids": valid_ids,
        "bias_table": bias_table,
        "W1": W1, "b1": b1, "W2": W2, "b2": b2,
        "G1": G1, "g1": g1, "G2": G2, "g2": g2,
    }


def reference(original_logits, decoder_state, valid_ids, bias_table,
              W1, b1, W2, b2, G1, g1, G2, g2):
    # softmax over vocab (original probabilities)
    orig_probs = jax.nn.softmax(original_logits, axis=-1)
    # gather bias embeddings for trie-valid candidate tokens
    token_emb = jnp.take(bias_table, valid_ids, axis=0)  # [B, K, E]
    dec_exp = jnp.broadcast_to(decoder_state[:, None, :], (B, K, D))
    concat = jnp.concatenate([dec_exp, token_emb], axis=-1)  # [B, K, D+E]
    # pointer net MLP per candidate
    h = jax.nn.relu(concat @ W1 + b1)
    pointer_scores = (h @ W2 + b2)[..., 0]  # [B, K]
    pointer_probs = jax.nn.softmax(pointer_scores, axis=-1)
    # scatter pointer probs into full-vocab distribution
    rows = jnp.arange(B, dtype=jnp.int32)[:, None]
    pointer_dist = jnp.zeros((B, V), dtype=jnp.float32).at[rows, valid_ids].set(pointer_probs)
    # generation gate
    hg = jax.nn.relu(decoder_state @ G1 + g1)
    p_gen = jax.nn.sigmoid(hg @ G2 + g2)  # [B, 1]
    p_gen = jnp.broadcast_to(p_gen, (B, V))
    biased_probs = p_gen * pointer_dist + (1.0 - p_gen) * orig_probs
    pointer_mass = jnp.sum(pointer_dist, axis=-1, keepdims=True)
    final_probs = jnp.where(pointer_mass < THRESHOLD, orig_probs, biased_probs)
    return jnp.log(final_probs + 1e-08)

if __name__ == "__main__":
    import jax
    _d = setup_inputs()
    print(jax.jit(kernel)(*tuple(_d.values())))

</pallas_src>

<mosaic_0001>
#map = affine_map<(d0, d1) -> (0)>
module attributes {stable_mosaic.version = 14 : i64} {
  func.func @new_body(%arg0: i32, %arg1: i32, %arg2: memref<131072xi32, #tpu.memory_space<hbm>>, %arg3: memref<131072xf32, #tpu.memory_space<hbm>>, %arg4: memref<6400000xf32, #tpu.memory_space<hbm>>, %arg5: memref<6400000xf32, #tpu.memory_space<hbm>>, %arg6: memref<4096xi32, #tpu.memory_space<vmem>>, %arg7: memref<4096xi32, #tpu.memory_space<vmem>>, %arg8: memref<4096xf32, #tpu.memory_space<vmem>>, %arg9: memref<!tpu.dma_semaphore, #tpu.memory_space<semaphore_mem>>) attributes {dimension_semantics = [#tpu.dimension_semantics<core_parallel>, #tpu.dimension_semantics<subcore_parallel>], iteration_bounds = array<i64: 2, 16>, scalar_prefetch = 0 : i64, scratch_operands = 4 : i64, tpu.core_type = #tpu.core_type<sc_vector_subcore>, window_params = [{transform_indices = #map}, {transform_indices = #map}, {transform_indices = #map}, {transform_indices = #map}]} {
    %mul3A = arith.constant 2 : i32
    %mul3A_0 = arith.muli %arg1, %mul3A : i32
    %add3A = arith.addi %mul3A_0, %arg0 : i32
    %mul3A_1 = arith.constant 4096 : i32
    %mul3A_2 = arith.muli %add3A, %mul3A_1 : i32
    %mul3A_3 = arith.constant 1 : i32
    %mul3A_4 = arith.muli %mul3A_2, %mul3A_3 : i32
    "tpu.region"() ({
      %run_scoped3A = tpu.sem_alloc : memref<!tpu.dma_semaphore, #tpu.memory_space<semaphore_mem>>
      %dma_start3A_31 = tpu.memref_slice %arg2[%mul3A_4] : memref<131072xi32, #tpu.memory_space<hbm>> -> memref<4096xi32, #tpu.memory_space<hbm>>
      %dma_start3A_32 = tpu.memref_slice %arg2[%mul3A_4] : memref<131072xi32, #tpu.memory_space<hbm>> -> memref<4096xi32, #tpu.memory_space<hbm>>
      tpu.enqueue_dma source(%dma_start3A_32 : memref<4096xi32, #tpu.memory_space<hbm>>) target(%arg6 : memref<4096xi32, #tpu.memory_space<vmem>>) target_semaphore(%run_scoped3A : memref<!tpu.dma_semaphore, #tpu.memory_space<semaphore_mem>>)
      %dma_wait3A_33 = tpu.memref_slice %arg2[%mul3A_4] : memref<131072xi32, #tpu.memory_space<hbm>> -> memref<4096xi32, #tpu.memory_space<hbm>>
      %dma_wait3A_34 = tpu.memref_slice %arg2[%mul3A_4] : memref<131072xi32, #tpu.memory_space<hbm>> -> memref<4096xi32, #tpu.memory_space<hbm>>
      tpu.wait_dma2 semaphore(%run_scoped3A : memref<!tpu.dma_semaphore, #tpu.memory_space<semaphore_mem>>) src(%dma_wait3A_34 : memref<4096xi32, #tpu.memory_space<hbm>>) dst(%arg6 : memref<4096xi32, #tpu.memory_space<vmem>>)
      tpu.yield
    }) : () -> ()
    %mul3A_5 = arith.constant 1 : i32
    %mul3A_6 = arith.muli %mul3A_2, %mul3A_5 : i32
    "tpu.region"() ({
      %run_scoped3A = tpu.sem_alloc : memref<!tpu.dma_semaphore, #tpu.memory_space<semaphore_mem>>
      %dma_start3A_31 = tpu.memref_slice %arg3[%mul3A_6] : memref<131072xf32, #tpu.memory_space<hbm>> -> memref<4096xf32, #tpu.memory_space<hbm>>
      %dma_start3A_32 = tpu.memref_slice %arg3[%mul3A_6] : memref<131072xf32, #tpu.memory_space<hbm>> -> memref<4096xf32, #tpu.memory_space<hbm>>
      tpu.enqueue_dma source(%dma_start3A_32 : memref<4096xf32, #tpu.memory_space<hbm>>) target(%arg8 : memref<4096xf32, #tpu.memory_space<vmem>>) target_semaphore(%run_scoped3A : memref<!tpu.dma_semaphore, #tpu.memory_space<semaphore_mem>>)
      %dma_wait3A_33 = tpu.memref_slice %arg3[%mul3A_6] : memref<131072xf32, #tpu.memory_space<hbm>> -> memref<4096xf32, #tpu.memory_space<hbm>>
      %dma_wait3A_34 = tpu.memref_slice %arg3[%mul3A_6] : memref<131072xf32, #tpu.memory_space<hbm>> -> memref<4096xf32, #tpu.memory_space<hbm>>
      tpu.wait_dma2 semaphore(%run_scoped3A : memref<!tpu.dma_semaphore, #tpu.memory_space<semaphore_mem>>) src(%dma_wait3A_34 : memref<4096xf32, #tpu.memory_space<hbm>>) dst(%arg8 : memref<4096xf32, #tpu.memory_space<vmem>>)
      tpu.yield
    }) : () -> ()
    %jit3A = arith.constant 2048 : i32
    %div3A = arith.divsi %mul3A_2, %jit3A : i32
    %sign3A = arith.constant 0 : i32
    %sign3A_7 = arith.cmpi sgt, %mul3A_2, %sign3A : i32
    %sign3A_8 = arith.extui %sign3A_7 : i1 to i32
    %sign3A_9 = arith.constant 0 : i32
    %sign3A_10 = arith.cmpi slt, %mul3A_2, %sign3A_9 : i32
    %sign3A_11 = arith.extui %sign3A_10 : i1 to i32
    %sign3A_12 = arith.subi %sign3A_8, %sign3A_11 : i32
    %sign3A_13 = arith.constant 0 : i32
    %sign3A_14 = arith.cmpi sgt, %jit3A, %sign3A_13 : i32
    %sign3A_15 = arith.extui %sign3A_14 : i1 to i32
    %sign3A_16 = arith.constant 0 : i32
    %sign3A_17 = arith.cmpi slt, %jit3A, %sign3A_16 : i32
    %sign3A_18 = arith.extui %sign3A_17 : i1 to i32
    %sign3A_19 = arith.subi %sign3A_15, %sign3A_18 : i32
    %ne3A = arith.cmpi ne, %sign3A_12, %sign3A_19 : i32
    %rem3A = arith.remsi %mul3A_2, %jit3A : i32
    %ne3A_20 = arith.constant 0 : i32
    %ne3A_21 = arith.cmpi ne, %rem3A, %ne3A_20 : i32
    %and3A = arith.andi %ne3A, %ne3A_21 : i1
    %sub3A = arith.constant 1 : i32
    %sub3A_22 = arith.subi %div3A, %sub3A : i32
    %select_n3A = arith.select %and3A, %sub3A_22, %div3A : i32
    %scan3A = arith.constant 0 : i32
    %scan3A_23 = arith.constant 0 : i32
    %scan3A_24 = arith.constant 256 : i32
    %scan3A_25 = arith.addi %scan3A_23, %scan3A_24 : i32
    %scan3A_26 = arith.constant 8 : i32
    %scan3A_27 = scf.for %scan3A_31 = %scan3A_23 to %scan3A_25 step %scan3A_26 iter_args(%scan3A_32 = %scan3A) -> (i32)  : i32 {
      %mul3A_33 = arith.constant 16 : i32
      %mul3A_34 = arith.muli %scan3A_31, %mul3A_33 : i32
      %jit3A_35 = arith.constant 2048 : i32
      %div3A_36 = arith.divsi %mul3A_34, %jit3A_35 : i32
      %sign3A_37 = arith.constant 0 : i32
      %sign3A_38 = arith.cmpi sgt, %mul3A_34, %sign3A_37 : i32
      %sign3A_39 = arith.extui %sign3A_38 : i1 to i32
      %sign3A_40 = arith.constant 0 : i32
      %sign3A_41 = arith.cmpi slt, %mul3A_34, %sign3A_40 : i32
      %sign3A_42 = arith.extui %sign3A_41 : i1 to i32
      %sign3A_43 = arith.subi %sign3A_39, %sign3A_42 : i32
      %sign3A_44 = arith.constant 0 : i32
      %sign3A_45 = arith.cmpi sgt, %jit3A_35, %sign3A_44 : i32
      %sign3A_46 = arith.extui %sign3A_45 : i1 to i32
      %sign3A_47 = arith.constant 0 : i32
      %sign3A_48 = arith.cmpi slt, %jit3A_35, %sign3A_47 : i32
      %sign3A_49 = arith.extui %sign3A_48 : i1 to i32
      %sign3A_50 = arith.subi %sign3A_46, %sign3A_49 : i32
      %ne3A_51 = arith.cmpi ne, %sign3A_43, %sign3A_50 : i32
      %rem3A_52 = arith.remsi %mul3A_34, %jit3A_35 : i32
      %ne3A_53 = arith.constant 0 : i32
      %ne3A_54 = arith.cmpi ne, %rem3A_52, %ne3A_53 : i32
      %and3A_55 = arith.andi %ne3A_51, %ne3A_54 : i1
      %sub3A_56 = arith.constant 1 : i32
      %sub3A_57 = arith.subi %div3A_36, %sub3A_56 : i32
      %select_n3A_58 = arith.select %and3A_55, %sub3A_57, %div3A_36 : i32
      %add3A_59 = arith.addi %select_n3A, %select_n3A_58 : i32
      %mul3A_60 = arith.constant 100000 : i32
      %mul3A_61 = arith.muli %add3A_59, %mul3A_60 : i32
      %mul3A_62 = arith.constant 16 : i32
      %mul3A_63 = arith.muli %scan3A_31, %mul3A_62 : i32
      %get3A = arith.index_cast %mul3A_63 : i32 to index
      %get3A_64 = tpu.vector_load %arg6[%get3A] {strides = array<i32>} : memref<4096xi32, #tpu.memory_space<vmem>>, vector<16xi32>,
      %get3A_65 = vector.shape_cast %get3A_64 : vector<16xi32> to vector<16xi32>
      %add3A_66 = vector.broadcast %mul3A_61 : i32 to vector<16xi32>
      %add3A_67 = arith.addi %get3A_65, %add3A_66 : vector<16xi32>
      %mul3A_68 = arith.constant 16 : i32
      %mul3A_69 = arith.muli %scan3A_31, %mul3A_68 : i32
      %swap3A = arith.index_cast %mul3A_69 : i32 to index
      %swap3A_70 = tpu.vector_load %arg7[%swap3A] {strides = array<i32>} : memref<4096xi32, #tpu.memory_space<vmem>>, vector<16xi32>,
      %swap3A_71 = vector.shape_cast %swap3A_70 : vector<16xi32> to vector<16xi32>
      %swap3A_72 = vector.shape_cast %add3A_67 : vector<16xi32> to vector<16xi32>
      tpu.vector_store %arg7[%swap3A], %swap3A_72 {strides = array<i32>} : memref<4096xi32, #tpu.memory_space<vmem>>, vector<16xi32>,
      %scan3A_73 = arith.constant 0 : i32
      %scan3A_74 = arith.constant 1 : i32
      %scan3A_75 = arith.addi %scan3A_31, %scan3A_74 : i32
      %mul3A_76 = arith.constant 16 : i32
      %mul3A_77 = arith.muli %scan3A_75, %mul3A_76 : i32
      %jit3A_78 = arith.constant 2048 : i32
      %div3A_79 = arith.divsi %mul3A_77, %jit3A_78 : i32
      %sign3A_80 = arith.constant 0 : i32
      %sign3A_81 = arith.cmpi sgt, %mul3A_77, %sign3A_80 : i32
      %sign3A_82 = arith.extui %sign3A_81 : i1 to i32
      %sign3A_83 = arith.constant 0 : i32
      %sign3A_84 = arith.cmpi slt, %mul3A_77, %sign3A_83 : i32
      %sign3A_85 = arith.extui %sign3A_84 : i1 to i32
      %sign3A_86 = arith.subi %sign3A_82, %sign3A_85 : i32
      %sign3A_87 = arith.constant 0 : i32
      %sign3A_88 = arith.cmpi sgt, %jit3A_78, %sign3A_87 : i32
      %sign3A_89 = arith.extui %sign3A_88 : i1 to i32
      %sign3A_90 = arith.constant 0 : i32
      %sign3A_91 = arith.cmpi slt, %jit3A_78, %sign3A_90 : i32
      %sign3A_92 = arith.extui %sign3A_91 : i1 to i32
      %sign3A_93 = arith.subi %sign3A_89, %sign3A_92 : i32
      %ne3A_94 = arith.cmpi ne, %sign3A_86, %sign3A_93 : i32
      %rem3A_95 = arith.remsi %mul3A_77, %jit3A_78 : i32
      %ne3A_96 = arith.constant 0 : i32
      %ne3A_97 = arith.cmpi ne, %rem3A_95, %ne3A_96 : i32
      %and3A_98 = arith.andi %ne3A_94, %ne3A_97 : i1
      %sub3A_99 = arith.constant 1 : i32
      %sub3A_100 = arith.subi %div3A_79, %sub3A_99 : i32
      %select_n3A_101 = arith.select %and3A_98, %sub3A_100, %div3A_79 : i32
      %add3A_102 = arith.addi %select_n3A, %select_n3A_101 : i32
      %mul3A_103 = arith.constant 100000 : i32
      %mul3A_104 = arith.muli %add3A_102, %mul3A_103 : i32
      %mul3A_105 = arith.constant 16 : i32
      %mul3A_106 = arith.muli %scan3A_75, %mul3A_105 : i32
      %get3A_107 = arith.index_cast %mul3A_106 : i32 to index
      %get3A_108 = tpu.vector_load %arg6[%get3A_107] {strides = array<i32>} : memref<4096xi32, #tpu.memory_space<vmem>>, vector<16xi32>,
      %get3A_109 = vector.shape_cast %get3A_108 : vector<16xi32> to vector<16xi32>
      %add3A_110 = vector.broadcast %mul3A_104 : i32 to vector<16xi32>
      %add3A_111 = arith.addi %get3A_109, %add3A_110 : vector<16xi32>
      %mul3A_112 = arith.constant 16 : i32
      %mul3A_113 = arith.muli %scan3A_75, %mul3A_112 : i32
      %swap3A_114 = arith.index_cast %mul3A_113 : i32 to index
      %swap3A_115 = tpu.vector_load %arg7[%swap3A_114] {strides = array<i32>} : memref<4096xi32, #tpu.memory_space<vmem>>, vector<16xi32>,
      %swap3A_116 = vector.shape_cast %swap3A_115 : vector<16xi32> to vector<16xi32>
      %swap3A_117 = vector.shape_cast %add3A_111 : vector<16xi32> to vector<16xi32>
      tpu.vector_store %arg7[%swap3A_114], %swap3A_117 {strides = array<i32>} : memref<4096xi32, #tpu.memory_space<vmem>>, vector<16xi32>,
      %scan3A_118 = arith.constant 0 : i32
      %scan3A_119 = arith.constant 2 : i32
      %scan3A_120 = arith.addi %scan3A_31, %scan3A_119 : i32
      %mul3A_121 = arith.constant 16 : i32
      %mul3A_122 = arith.muli %scan3A_120, %mul3A_121 : i32
      %jit3A_123 = arith.constant 2048 : i32
      %div3A_124 = arith.divsi %mul3A_122, %jit3A_123 : i32
      %sign3A_125 = arith.constant 0 : i32
      %sign3A_126 = arith.cmpi sgt, %mul3A_122, %sign3A_125 : i32
      %sign3A_127 = arith.extui %sign3A_126 : i1 to i32
      %sign3A_128 = arith.constant 0 : i32
      %sign3A_129 = arith.cmpi slt, %mul3A_122, %sign3A_128 : i32
      %sign3A_130 = arith.extui %sign3A_129 : i1 to i32
      %sign3A_131 = arith.subi %sign3A_127, %sign3A_130 : i32
      %sign3A_132 = arith.constant 0 : i32
      %sign3A_133 = arith.cmpi sgt, %jit3A_123, %sign3A_132 : i32
      %sign3A_134 = arith.extui %sign3A_133 : i1 to i32
      %sign3A_135 = arith.constant 0 : i32
      %sign3A_136 = arith.cmpi slt, %jit3A_123, %sign3A_135 : i32
      %sign3A_137 = arith.extui %sign3A_136 : i1 to i32
      %sign3A_138 = arith.subi %sign3A_134, %sign3A_137 : i32
      %ne3A_139 = arith.cmpi ne, %sign3A_131, %sign3A_138 : i32
      %rem3A_140 = arith.remsi %mul3A_122, %jit3A_123 : i32
      %ne3A_141 = arith.constant 0 : i32
      %ne3A_142 = arith.cmpi ne, %rem3A_140, %ne3A_141 : i32
      %and3A_143 = arith.andi %ne3A_139, %ne3A_142 : i1
      %sub3A_144 = arith.constant 1 : i32
      %sub3A_145 = arith.subi %div3A_124, %sub3A_144 : i32
      %select_n3A_146 = arith.select %and3A_143, %sub3A_145, %div3A_124 : i32
      %add3A_147 = arith.addi %select_n3A, %select_n3A_146 : i32
      %mul3A_148 = arith.constant 100000 : i32
      %mul3A_149 = arith.muli %add3A_147, %mul3A_148 : i32
      %mul3A_150 = arith.constant 16 : i32
      %mul3A_151 = arith.muli %scan3A_120, %mul3A_150 : i32
      %get3A_152 = arith.index_cast %mul3A_151 : i32 to index
      %get3A_153 = tpu.vector_load %arg6[%get3A_152] {strides = array<i32>} : memref<4096xi32, #tpu.memory_space<vmem>>, vector<16xi32>,
      %get3A_154 = vector.shape_cast %get3A_153 : vector<16xi32> to vector<16xi32>
      %add3A_155 = vector.broadcast %mul3A_149 : i32 to vector<16xi32>
      %add3A_156 = arith.addi %get3A_154, %add3A_155 : vector<16xi32>
      %mul3A_157 = arith.constant 16 : i32
      %mul3A_158 = arith.muli %scan3A_120, %mul3A_157 : i32
      %swap3A_159 = arith.index_cast %mul3A_158 : i32 to index
      %swap3A_160 = tpu.vector_load %arg7[%swap3A_159] {strides = array<i32>} : memref<4096xi32, #tpu.memory_space<vmem>>, vector<16xi32>,
      %swap3A_161 = vector.shape_cast %swap3A_160 : vector<16xi32> to vector<16xi32>
      %swap3A_162 = vector.shape_cast %add3A_156 : vector<16xi32> to vector<16xi32>
      tpu.vector_store %arg7[%swap3A_159], %swap3A_162 {strides = array<i32>} : memref<4096xi32, #tpu.memory_space<vmem>>, vector<16xi32>,
      %scan3A_163 = arith.constant 0 : i32
      %scan3A_164 = arith.constant 3 : i32
      %scan3A_165 = arith.addi %scan3A_31, %scan3A_164 : i32
      %mul3A_166 = arith.constant 16 : i32
      %mul3A_167 = arith.muli %scan3A_165, %mul3A_166 : i32
      %jit3A_168 = arith.constant 2048 : i32
      %div3A_169 = arith.divsi %mul3A_167, %jit3A_168 : i32
      %sign3A_170 = arith.constant 0 : i32
      %sign3A_171 = arith.cmpi sgt, %mul3A_167, %sign3A_170 : i32
      %sign3A_172 = arith.extui %sign3A_171 : i1 to i32
      %sign3A_173 = arith.constant 0 : i32
      %sign3A_174 = arith.cmpi slt, %mul3A_167, %sign3A_173 : i32
      %sign3A_175 = arith.extui %sign3A_174 : i1 to i32
      %sign3A_176 = arith.subi %sign3A_172, %sign3A_175 : i32
      %sign3A_177 = arith.constant 0 : i32
      %sign3A_178 = arith.cmpi sgt, %jit3A_168, %sign3A_177 : i32
      %sign3A_179 = arith.extui %sign3A_178 : i1 to i32
      %sign3A_180 = arith.constant 0 : i32
      %sign3A_181 = arith.cmpi slt, %jit3A_168, %sign3A_180 : i32
      %sign3A_182 = arith.extui %sign3A_181 : i1 to i32
      %sign3A_183 = arith.subi %sign3A_179, %sign3A_182 : i32
      %ne3A_184 = arith.cmpi ne, %sign3A_176, %sign3A_183 : i32
      %rem3A_185 = arith.remsi %mul3A_167, %jit3A_168 : i32
      %ne3A_186 = arith.constant 0 : i32
      %ne3A_187 = arith.cmpi ne, %rem3A_185, %ne3A_186 : i32
      %and3A_188 = arith.andi %ne3A_184, %ne3A_187 : i1
      %sub3A_189 = arith.constant 1 : i32
      %sub3A_190 = arith.subi %div3A_169, %sub3A_189 : i32
      %select_n3A_191 = arith.select %and3A_188, %sub3A_190, %div3A_169 : i32
      %add3A_192 = arith.addi %select_n3A, %select_n3A_191 : i32
      %mul3A_193 = arith.constant 100000 : i32
      %mul3A_194 = arith.muli %add3A_192, %mul3A_193 : i32
      %mul3A_195 = arith.constant 16 : i32
      %mul3A_196 = arith.muli %scan3A_165, %mul3A_195 : i32
      %get3A_197 = arith.index_cast %mul3A_196 : i32 to index
      %get3A_198 = tpu.vector_load %arg6[%get3A_197] {strides = array<i32>} : memref<4096xi32, #tpu.memory_space<vmem>>, vector<16xi32>,
      %get3A_199 = vector.shape_cast %get3A_198 : vector<16xi32> to vector<16xi32>
      %add3A_200 = vector.broadcast %mul3A_194 : i32 to vector<16xi32>
      %add3A_201 = arith.addi %get3A_199, %add3A_200 : vector<16xi32>
      %mul3A_202 = arith.constant 16 : i32
      %mul3A_203 = arith.muli %scan3A_165, %mul3A_202 : i32
      %swap3A_204 = arith.index_cast %mul3A_203 : i32 to index
      %swap3A_205 = tpu.vector_load %arg7[%swap3A_204] {strides = array<i32>} : memref<4096xi32, #tpu.memory_space<vmem>>, vector<16xi32>,
      %swap3A_206 = vector.shape_cast %swap3A_205 : vector<16xi32> to vector<16xi32>
      %swap3A_207 = vector.shape_cast %add3A_201 : vector<16xi32> to vector<16xi32>
      tpu.vector_store %arg7[%swap3A_204], %swap3A_207 {strides = array<i32>} : memref<4096xi32, #tpu.memory_space<vmem>>, vector<16xi32>,
      %scan3A_208 = arith.constant 0 : i32
      %scan3A_209 = arith.constant 4 : i32
      %scan3A_210 = arith.addi %scan3A_31, %scan3A_209 : i32
      %mul3A_211 = arith.constant 16 : i32
      %mul3A_212 = arith.muli %scan3A_210, %mul3A_211 : i32
      %jit3A_213 = arith.constant 2048 : i32
      %div3A_214 = arith.divsi %mul3A_212, %jit3A_213 : i32
      %sign3A_215 = arith.constant 0 : i32
      %sign3A_216 = arith.cmpi sgt, %mul3A_212, %sign3A_215 : i32
      %sign3A_217 = arith.extui %sign3A_216 : i1 to i32
      %sign3A_218 = arith.constant 0 : i32
      %sign3A_219 = arith.cmpi slt, %mul3A_212, %sign3A_218 : i32
      %sign3A_220 = arith.extui %sign3A_219 : i1 to i32
      %sign3A_221 = arith.subi %sign3A_217, %sign3A_220 : i32
      %sign3A_222 = arith.constant 0 : i32
      %sign3A_223 = arith.cmpi sgt, %jit3A_213, %sign3A_222 : i32
      %sign3A_224 = arith.extui %sign3A_223 : i1 to i32
      %sign3A_225 = arith.constant 0 : i32
      %sign3A_226 = arith.cmpi slt, %jit3A_213, %sign3A_225 : i32
      %sign3A_227 = arith.extui %sign3A_226 : i1 to i32
      %sign3A_228 = arith.subi %sign3A_224, %sign3A_227 : i32
      %ne3A_229 = arith.cmpi ne, %sign3A_221, %sign3A_228 : i32
      %rem3A_230 = arith.remsi %mul3A_212, %jit3A_213 : i32
      %ne3A_231 = arith.constant 0 : i32
      %ne3A_232 = arith.cmpi ne, %rem3A_230, %ne3A_231 : i32
      %and3A_233 = arith.andi %ne3A_229, %ne3A_232 : i1
      %sub3A_234 = arith.constant 1 : i32
      %sub3A_235 = arith.subi %div3A_214, %sub3A_234 : i32
      %select_n3A_236 = arith.select %and3A_233, %sub3A_235, %div3A_214 : i32
      %add3A_237 = arith.addi %select_n3A, %select_n3A_236 : i32
      %mul3A_238 = arith.constant 100000 : i32
      %mul3A_239 = arith.muli %add3A_237, %mul3A_238 : i32
      %mul3A_240 = arith.constant 16 : i32
      %mul3A_241 = arith.muli %scan3A_210, %mul3A_240 : i32
      %get3A_242 = arith.index_cast %mul3A_241 : i32 to index
      %get3A_243 = tpu.vector_load %arg6[%get3A_242] {strides = array<i32>} : memref<4096xi32, #tpu.memory_space<vmem>>, vector<16xi32>,
      %get3A_244 = vector.shape_cast %get3A_243 : vector<16xi32> to vector<16xi32>
      %add3A_245 = vector.broadcast %mul3A_239 : i32 to vector<16xi32>
      %add3A_246 = arith.addi %get3A_244, %add3A_245 : vector<16xi32>
      %mul3A_247 = arith.constant 16 : i32
      %mul3A_248 = arith.muli %scan3A_210, %mul3A_247 : i32
      %swap3A_249 = arith.index_cast %mul3A_248 : i32 to index
      %swap3A_250 = tpu.vector_load %arg7[%swap3A_249] {strides = array<i32>} : memref<4096xi32, #tpu.memory_space<vmem>>, vector<16xi32>,
      %swap3A_251 = vector.shape_cast %swap3A_250 : vector<16xi32> to vector<16xi32>
      %swap3A_252 = vector.shape_cast %add3A_246 : vector<16xi32> to vector<16xi32>
      tpu.vector_store %arg7[%swap3A_249], %swap3A_252 {strides = array<i32>} : memref<4096xi32, #tpu.memory_space<vmem>>, vector<16xi32>,
      %scan3A_253 = arith.constant 0 : i32
      %scan3A_254 = arith.constant 5 : i32
      %scan3A_255 = arith.addi %scan3A_31, %scan3A_254 : i32
      %mul3A_256 = arith.constant 16 : i32
      %mul3A_257 = arith.muli %scan3A_255, %mul3A_256 : i32
      %jit3A_258 = arith.constant 2048 : i32
      %div3A_259 = arith.divsi %mul3A_257, %jit3A_258 : i32
      %sign3A_260 = arith.constant 0 : i32
      %sign3A_261 = arith.cmpi sgt, %mul3A_257, %sign3A_260 : i32
      %sign3A_262 = arith.extui %sign3A_261 : i1 to i32
      %sign3A_263 = arith.constant 0 : i32
      %sign3A_264 = arith.cmpi slt, %mul3A_257, %sign3A_263 : i32
      %sign3A_265 = arith.extui %sign3A_264 : i1 to i32
      %sign3A_266 = arith.subi %sign3A_262, %sign3A_265 : i32
      %sign3A_267 = arith.constant 0 : i32
      %sign3A_268 = arith.cmpi sgt, %jit3A_258, %sign3A_267 : i32
      %sign3A_269 = arith.extui %sign3A_268 : i1 to i32
      %sign3A_270 = arith.constant 0 : i32
      %sign3A_271 = arith.cmpi slt, %jit3A_258, %sign3A_270 : i32
      %sign3A_272 = arith.extui %sign3A_271 : i1 to i32
      %sign3A_273 = arith.subi %sign3A_269, %sign3A_272 : i32
      %ne3A_274 = arith.cmpi ne, %sign3A_266, %sign3A_273 : i32
      %rem3A_275 = arith.remsi %mul3A_257, %jit3A_258 : i32
      %ne3A_276 = arith.constant 0 : i32
      %ne3A_277 = arith.cmpi ne, %rem3A_275, %ne3A_276 : i32
      %and3A_278 = arith.andi %ne3A_274, %ne3A_277 : i1
      %sub3A_279 = arith.constant 1 : i32
      %sub3A_280 = arith.subi %div3A_259, %sub3A_279 : i32
      %select_n3A_281 = arith.select %and3A_278, %sub3A_280, %div3A_259 : i32
      %add3A_282 = arith.addi %select_n3A, %select_n3A_281 : i32
      %mul3A_283 = arith.constant 100000 : i32
      %mul3A_284 = arith.muli %add3A_282, %mul3A_283 : i32
      %mul3A_285 = arith.constant 16 : i32
      %mul3A_286 = arith.muli %scan3A_255, %mul3A_285 : i32
      %get3A_287 = arith.index_cast %mul3A_286 : i32 to index
      %get3A_288 = tpu.vector_load %arg6[%get3A_287] {strides = array<i32>} : memref<4096xi32, #tpu.memory_space<vmem>>, vector<16xi32>,
      %get3A_289 = vector.shape_cast %get3A_288 : vector<16xi32> to vector<16xi32>
      %add3A_290 = vector.broadcast %mul3A_284 : i32 to vector<16xi32>
      %add3A_291 = arith.addi %get3A_289, %add3A_290 : vector<16xi32>
      %mul3A_292 = arith.constant 16 : i32
      %mul3A_293 = arith.muli %scan3A_255, %mul3A_292 : i32
      %swap3A_294 = arith.index_cast %mul3A_293 : i32 to index
      %swap3A_295 = tpu.vector_load %arg7[%swap3A_294] {strides = array<i32>} : memref<4096xi32, #tpu.memory_space<vmem>>, vector<16xi32>,
      %swap3A_296 = vector.shape_cast %swap3A_295 : vector<16xi32> to vector<16xi32>
      %swap3A_297 = vector.shape_cast %add3A_291 : vector<16xi32> to vector<16xi32>
      tpu.vector_store %arg7[%swap3A_294], %swap3A_297 {strides = array<i32>} : memref<4096xi32, #tpu.memory_space<vmem>>, vector<16xi32>,
      %scan3A_298 = arith.constant 0 : i32
      %scan3A_299 = arith.constant 6 : i32
      %scan3A_300 = arith.addi %scan3A_31, %scan3A_299 : i32
      %mul3A_301 = arith.constant 16 : i32
      %mul3A_302 = arith.muli %scan3A_300, %mul3A_301 : i32
      %jit3A_303 = arith.constant 2048 : i32
      %div3A_304 = arith.divsi %mul3A_302, %jit3A_303 : i32
      %sign3A_305 = arith.constant 0 : i32
      %sign3A_306 = arith.cmpi sgt, %mul3A_302, %sign3A_305 : i32
      %sign3A_307 = arith.extui %sign3A_306 : i1 to i32
      %sign3A_308 = arith.constant 0 : i32
      %sign3A_309 = arith.cmpi slt, %mul3A_302, %sign3A_308 : i32
      %sign3A_310 = arith.extui %sign3A_309 : i1 to i32
      %sign3A_311 = arith.subi %sign3A_307, %sign3A_310 : i32
      %sign3A_312 = arith.constant 0 : i32
      %sign3A_313 = arith.cmpi sgt, %jit3A_303, %sign3A_312 : i32
      %sign3A_314 = arith.extui %sign3A_313 : i1 to i32
      %sign3A_315 = arith.constant 0 : i32
      %sign3A_316 = arith.cmpi slt, %jit3A_303, %sign3A_315 : i32
      %sign3A_317 = arith.extui %sign3A_316 : i1 to i32
      %sign3A_318 = arith.subi %sign3A_314, %sign3A_317 : i32
      %ne3A_319 = arith.cmpi ne, %sign3A_311, %sign3A_318 : i32
      %rem3A_320 = arith.remsi %mul3A_302, %jit3A_303 : i32
      %ne3A_321 = arith.constant 0 : i32
      %ne3A_322 = arith.cmpi ne, %rem3A_320, %ne3A_321 : i32
      %and3A_323 = arith.andi %ne3A_319, %ne3A_322 : i1
      %sub3A_324 = arith.constant 1 : i32
      %sub3A_325 = arith.subi %div3A_304, %sub3A_324 : i32
      %select_n3A_326 = arith.select %and3A_323, %sub3A_325, %div3A_304 : i32
      %add3A_327 = arith.addi %select_n3A, %select_n3A_326 : i32
      %mul3A_328 = arith.constant 100000 : i32
      %mul3A_329 = arith.muli %add3A_327, %mul3A_328 : i32
      %mul3A_330 = arith.constant 16 : i32
      %mul3A_331 = arith.muli %scan3A_300, %mul3A_330 : i32
      %get3A_332 = arith.index_cast %mul3A_331 : i32 to index
      %get3A_333 = tpu.vector_load %arg6[%get3A_332] {strides = array<i32>} : memref<4096xi32, #tpu.memory_space<vmem>>, vector<16xi32>,
      %get3A_334 = vector.shape_cast %get3A_333 : vector<16xi32> to vector<16xi32>
      %add3A_335 = vector.broadcast %mul3A_329 : i32 to vector<16xi32>
      %add3A_336 = arith.addi %get3A_334, %add3A_335 : vector<16xi32>
      %mul3A_337 = arith.constant 16 : i32
      %mul3A_338 = arith.muli %scan3A_300, %mul3A_337 : i32
      %swap3A_339 = arith.index_cast %mul3A_338 : i32 to index
      %swap3A_340 = tpu.vector_load %arg7[%swap3A_339] {strides = array<i32>} : memref<4096xi32, #tpu.memory_space<vmem>>, vector<16xi32>,
      %swap3A_341 = vector.shape_cast %swap3A_340 : vector<16xi32> to vector<16xi32>
      %swap3A_342 = vector.shape_cast %add3A_336 : vector<16xi32> to vector<16xi32>
      tpu.vector_store %arg7[%swap3A_339], %swap3A_342 {strides = array<i32>} : memref<4096xi32, #tpu.memory_space<vmem>>, vector<16xi32>,
      %scan3A_343 = arith.constant 0 : i32
      %scan3A_344 = arith.constant 7 : i32
      %scan3A_345 = arith.addi %scan3A_31, %scan3A_344 : i32
      %mul3A_346 = arith.constant 16 : i32
      %mul3A_347 = arith.muli %scan3A_345, %mul3A_346 : i32
      %jit3A_348 = arith.constant 2048 : i32
      %div3A_349 = arith.divsi %mul3A_347, %jit3A_348 : i32
      %sign3A_350 = arith.constant 0 : i32
      %sign3A_351 = arith.cmpi sgt, %mul3A_347, %sign3A_350 : i32
      %sign3A_352 = arith.extui %sign3A_351 : i1 to i32
      %sign3A_353 = arith.constant 0 : i32
      %sign3A_354 = arith.cmpi slt, %mul3A_347, %sign3A_353 : i32
      %sign3A_355 = arith.extui %sign3A_354 : i1 to i32
      %sign3A_356 = arith.subi %sign3A_352, %sign3A_355 : i32
      %sign3A_357 = arith.constant 0 : i32
      %sign3A_358 = arith.cmpi sgt, %jit3A_348, %sign3A_357 : i32
      %sign3A_359 = arith.extui %sign3A_358 : i1 to i32
      %sign3A_360 = arith.constant 0 : i32
      %sign3A_361 = arith.cmpi slt, %jit3A_348, %sign3A_360 : i32
      %sign3A_362 = arith.extui %sign3A_361 : i1 to i32
      %sign3A_363 = arith.subi %sign3A_359, %sign3A_362 : i32
      %ne3A_364 = arith.cmpi ne, %sign3A_356, %sign3A_363 : i32
      %rem3A_365 = arith.remsi %mul3A_347, %jit3A_348 : i32
      %ne3A_366 = arith.constant 0 : i32
      %ne3A_367 = arith.cmpi ne, %rem3A_365, %ne3A_366 : i32
      %and3A_368 = arith.andi %ne3A_364, %ne3A_367 : i1
      %sub3A_369 = arith.constant 1 : i32
      %sub3A_370 = arith.subi %div3A_349, %sub3A_369 : i32
      %select_n3A_371 = arith.select %and3A_368, %sub3A_370, %div3A_349 : i32
      %add3A_372 = arith.addi %select_n3A, %select_n3A_371 : i32
      %mul3A_373 = arith.constant 100000 : i32
      %mul3A_374 = arith.muli %add3A_372, %mul3A_373 : i32
      %mul3A_375 = arith.constant 16 : i32
      %mul3A_376 = arith.muli %scan3A_345, %mul3A_375 : i32
      %get3A_377 = arith.index_cast %mul3A_376 : i32 to index
      %get3A_378 = tpu.vector_load %arg6[%get3A_377] {strides = array<i32>} : memref<4096xi32, #tpu.memory_space<vmem>>, vector<16xi32>,
      %get3A_379 = vector.shape_cast %get3A_378 : vector<16xi32> to vector<16xi32>
      %add3A_380 = vector.broadcast %mul3A_374 : i32 to vector<16xi32>
      %add3A_381 = arith.addi %get3A_379, %add3A_380 : vector<16xi32>
      %mul3A_382 = arith.constant 16 : i32
      %mul3A_383 = arith.muli %scan3A_345, %mul3A_382 : i32
      %swap3A_384 = arith.index_cast %mul3A_383 : i32 to index
      %swap3A_385 = tpu.vector_load %arg7[%swap3A_384] {strides = array<i32>} : memref<4096xi32, #tpu.memory_space<vmem>>, vector<16xi32>,
      %swap3A_386 = vector.shape_cast %swap3A_385 : vector<16xi32> to vector<16xi32>
      %swap3A_387 = vector.shape_cast %add3A_381 : vector<16xi32> to vector<16xi32>
      tpu.vector_store %arg7[%swap3A_384], %swap3A_387 {strides = array<i32>} : memref<4096xi32, #tpu.memory_space<vmem>>, vector<16xi32>,
      %scan3A_388 = arith.constant 0 : i32
      scf.yield %scan3A_388 : i32
    }
    %scan3A_28 = arith.constant 256 : i32
    %dma_start3A = arith.constant 0 : i32
    %dma_start3A_29 = tpu.memref_slice %arg4[%dma_start3A] : memref<6400000xf32, #tpu.memory_space<hbm>> -> memref<6400000xf32, #tpu.memory_space<hbm>>
    tpu.enqueue_indirect_dma source(%arg8 : memref<4096xf32, #tpu.memory_space<vmem>>) target(%dma_start3A_29 : memref<6400000xf32, #tpu.memory_space<hbm>>) offsets(%arg7 : memref<4096xi32, #tpu.memory_space<vmem>>) semaphore(%arg9 : memref<!tpu.dma_semaphore, #tpu.memory_space<semaphore_mem>>)
    %dma_wait3A = arith.constant 0 : i32
    %dma_wait3A_30 = tpu.memref_slice %arg4[%dma_wait3A] : memref<6400000xf32, #tpu.memory_space<hbm>> -> memref<6400000xf32, #tpu.memory_space<hbm>>
    tpu.wait_indirect_dma semaphore(%arg9 : memref<!tpu.dma_semaphore, #tpu.memory_space<semaphore_mem>>) src(%arg8 : memref<4096xf32, #tpu.memory_space<vmem>>) dst(%dma_wait3A_30 : memref<6400000xf32, #tpu.memory_space<hbm>>)
    return
  }
}

#map = affine_map<(d0, d1) -> (0)>
#map1 = affine_map<(d0, d1) -> (0, 0)>
module attributes {stable_mosaic.version = 14 : i64} {
  func.func @_sc_gather_body(%arg0: i32, %arg1: i32, %arg2: memref<131072xi32, #tpu.memory_space<hbm>>, %arg3: memref<6400000xf32, #tpu.memory_space<hbm>>, %arg4: memref<100000x64xf32, #tpu.memory_space<hbm>>, %arg5: memref<131072x64xf32, #tpu.memory_space<hbm>>, %arg6: memref<131072xf32, #tpu.memory_space<hbm>>, %arg7: memref<4096xi32, #tpu.memory_space<vmem>>, %arg8: memref<4096xi32, #tpu.memory_space<vmem>>, %arg9: memref<2x512x64xf32, #tpu.memory_space<vmem>>, %arg10: memref<2x512xf32, #tpu.memory_space<vmem>>, %arg11: memref<!tpu.dma_semaphore, #tpu.memory_space<semaphore_mem>>, %arg12: memref<!tpu.dma_semaphore, #tpu.memory_space<semaphore_mem>>, %arg13: memref<!tpu.dma_semaphore, #tpu.memory_space<semaphore_mem>>, %arg14: memref<!tpu.dma_semaphore, #tpu.memory_space<semaphore_mem>>, %arg15: memref<!tpu.dma_semaphore, #tpu.memory_space<semaphore_mem>>, %arg16: memref<!tpu.dma_semaphore, #tpu.memory_space<semaphore_mem>>, %arg17: memref<!tpu.dma_semaphore, #tpu.memory_space<semaphore_mem>>, %arg18: memref<!tpu.dma_semaphore, #tpu.memory_space<semaphore_mem>>) attributes {dimension_semantics = [#tpu.dimension_semantics<core_parallel>, #tpu.dimension_semantics<subcore_parallel>], iteration_bounds = array<i64: 2, 16>, scalar_prefetch = 0 : i64, scratch_operands = 12 : i64, tpu.core_type = #tpu.core_type<sc_vector_subcore>, window_params = [{transform_indices = #map}, {transform_indices = #map}, {transform_indices = #map1}, {transform_indices = #map1}, {transform_indices = #map}]} {
    %mul3A = arith.constant 2 : i32
    %mul3A_0 = arith.muli %arg1, %mul3A : i32
    %add3A = arith.addi %mul3A_0, %arg0 : i32
    %mul3A_1 = arith.constant 4096 : i32
    %mul3A_2 = arith.muli %add3A, %mul3A_1 : i32
    %mul3A_3 = arith.constant 1 : i32
    %mul3A_4 = arith.muli %mul3A_2, %mul3A_3 : i32
    "tpu.region"() ({
      %run_scoped3A = tpu.sem_alloc : memref<!tpu.dma_semaphore, #tpu.memory_space<semaphore_mem>>
      %dma_start3A_102 = tpu.memref_slice %arg2[%mul3A_4] : memref<131072xi32, #tpu.memory_space<hbm>> -> memref<4096xi32, #tpu.memory_space<hbm>>
      %dma_start3A_103 = tpu.memref_slice %arg2[%mul3A_4] : memref<131072xi32, #tpu.memory_space<hbm>> -> memref<4096xi32, #tpu.memory_space<hbm>>
      tpu.enqueue_dma source(%dma_start3A_103 : memref<4096xi32, #tpu.memory_space<hbm>>) target(%arg7 : memref<4096xi32, #tpu.memory_space<vmem>>) target_semaphore(%run_scoped3A : memref<!tpu.dma_semaphore, #tpu.memory_space<semaphore_mem>>)
      %dma_wait3A_104 = tpu.memref_slice %arg2[%mul3A_4] : memref<131072xi32, #tpu.memory_space<hbm>> -> memref<4096xi32, #tpu.memory_space<hbm>>
      %dma_wait3A_105 = tpu.memref_slice %arg2[%mul3A_4] : memref<131072xi32, #tpu.memory_space<hbm>> -> memref<4096xi32, #tpu.memory_space<hbm>>
      tpu.wait_dma2 semaphore(%run_scoped3A : memref<!tpu.dma_semaphore, #tpu.memory_space<semaphore_mem>>) src(%dma_wait3A_105 : memref<4096xi32, #tpu.memory_space<hbm>>) dst(%arg7 : memref<4096xi32, #tpu.memory_space<vmem>>)
      tpu.yield
    }) : () -> ()
    %jit3A = arith.constant 2048 : i32
    %div3A = arith.divsi %mul3A_2, %jit3A : i32
    %sign3A = arith.constant 0 : i32
    %sign3A_5 = arith.cmpi sgt, %mul3A_2, %sign3A : i32
    %sign3A_6 = arith.extui %sign3A_5 : i1 to i32
    %sign3A_7 = arith.constant 0 : i32
    %sign3A_8 = arith.cmpi slt, %mul3A_2, %sign3A_7 : i32
    %sign3A_9 = arith.extui %sign3A_8 : i1 to i32
    %sign3A_10 = arith.subi %sign3A_6, %sign3A_9 : i32
    %sign3A_11 = arith.constant 0 : i32
    %sign3A_12 = arith.cmpi sgt, %jit3A, %sign3A_11 : i32
    %sign3A_13 = arith.extui %sign3A_12 : i1 to i32
    %sign3A_14 = arith.constant 0 : i32
    %sign3A_15 = arith.cmpi slt, %jit3A, %sign3A_14 : i32
    %sign3A_16 = arith.extui %sign3A_15 : i1 to i32
    %sign3A_17 = arith.subi %sign3A_13, %sign3A_16 : i32
    %ne3A = arith.cmpi ne, %sign3A_10, %sign3A_17 : i32
    %rem3A = arith.remsi %mul3A_2, %jit3A : i32
    %ne3A_18 = arith.constant 0 : i32
    %ne3A_19 = arith.cmpi ne, %rem3A, %ne3A_18 : i32
    %and3A = arith.andi %ne3A, %ne3A_19 : i1
    %sub3A = arith.constant 1 : i32
    %sub3A_20 = arith.subi %div3A, %sub3A : i32
    %select_n3A = arith.select %and3A, %sub3A_20, %div3A : i32
    %scan3A = arith.constant 0 : i32
    %scan3A_21 = arith.constant 0 : i32
    %scan3A_22 = arith.constant 256 : i32
    %scan3A_23 = arith.addi %scan3A_21, %scan3A_22 : i32
    %scan3A_24 = arith.constant 8 : i32
    %scan3A_25 = scf.for %scan3A_102 = %scan3A_21 to %scan3A_23 step %scan3A_24 iter_args(%scan3A_103 = %scan3A) -> (i32)  : i32 {
      %mul3A_104 = arith.constant 16 : i32
      %mul3A_105 = arith.muli %scan3A_102, %mul3A_104 : i32
      %jit3A_106 = arith.constant 2048 : i32
      %div3A_107 = arith.divsi %mul3A_105, %jit3A_106 : i32
      %sign3A_108 = arith.constant 0 : i32
      %sign3A_109 = arith.cmpi sgt, %mul3A_105, %sign3A_108 : i32
      %sign3A_110 = arith.extui %sign3A_109 : i1 to i32
      %sign3A_111 = arith.constant 0 : i32
      %sign3A_112 = arith.cmpi slt, %mul3A_105, %sign3A_111 : i32
      %sign3A_113 = arith.extui %sign3A_112 : i1 to i32
      %sign3A_114 = arith.subi %sign3A_110, %sign3A_113 : i32
      %sign3A_115 = arith.constant 0 : i32
      %sign3A_116 = arith.cmpi sgt, %jit3A_106, %sign3A_115 : i32
      %sign3A_117 = arith.extui %sign3A_116 : i1 to i32
      %sign3A_118 = arith.constant 0 : i32
      %sign3A_119 = arith.cmpi slt, %jit3A_106, %sign3A_118 : i32
      %sign3A_120 = arith.extui %sign3A_119 : i1 to i32
      %sign3A_121 = arith.subi %sign3A_117, %sign3A_120 : i32
      %ne3A_122 = arith.cmpi ne, %sign3A_114, %sign3A_121 : i32
      %rem3A_123 = arith.remsi %mul3A_105, %jit3A_106 : i32
      %ne3A_124 = arith.constant 0 : i32
      %ne3A_125 = arith.cmpi ne, %rem3A_123, %ne3A_124 : i32
      %and3A_126 = arith.andi %ne3A_122, %ne3A_125 : i1
      %sub3A_127 = arith.constant 1 : i32
      %sub3A_128 = arith.subi %div3A_107, %sub3A_127 : i32
      %select_n3A_129 = arith.select %and3A_126, %sub3A_128, %div3A_107 : i32
      %add3A_130 = arith.addi %select_n3A, %select_n3A_129 : i32
      %mul3A_131 = arith.constant 100000 : i32
      %mul3A_132 = arith.muli %add3A_130, %mul3A_131 : i32
      %mul3A_133 = arith.constant 16 : i32
      %mul3A_134 = arith.muli %scan3A_102, %mul3A_133 : i32
      %get3A = arith.index_cast %mul3A_134 : i32 to index
      %get3A_135 = tpu.vector_load %arg7[%get3A] {strides = array<i32>} : memref<4096xi32, #tpu.memory_space<vmem>>, vector<16xi32>,
      %get3A_136 = vector.shape_cast %get3A_135 : vector<16xi32> to vector<16xi32>
      %add3A_137 = vector.broadcast %mul3A_132 : i32 to vector<16xi32>
      %add3A_138 = arith.addi %get3A_136, %add3A_137 : vector<16xi32>
      %mul3A_139 = arith.constant 16 : i32
      %mul3A_140 = arith.muli %scan3A_102, %mul3A_139 : i32
      %swap3A = arith.index_cast %mul3A_140 : i32 to index
      %swap3A_141 = tpu.vector_load %arg8[%swap3A] {strides = array<i32>} : memref<4096xi32, #tpu.memory_space<vmem>>, vector<16xi32>,
      %swap3A_142 = vector.shape_cast %swap3A_141 : vector<16xi32> to vector<16xi32>
      %swap3A_143 = vector.shape_cast %add3A_138 : vector<16xi32> to vector<16xi32>
      tpu.vector_store %arg8[%swap3A], %swap3A_143 {strides = array<i32>} : memref<4096xi32, #tpu.memory_space<vmem>>, vector<16xi32>,
      %scan3A_144 = arith.constant 0 : i32
      %scan3A_145 = arith.constant 1 : i32
      %scan3A_146 = arith.addi %scan3A_102, %scan3A_145 : i32
      %mul3A_147 = arith.constant 16 : i32
      %mul3A_148 = arith.muli %scan3A_146, %mul3A_147 : i32
      %jit3A_149 = arith.constant 2048 : i32
      %div3A_150 = arith.divsi %mul3A_148, %jit3A_149 : i32
      %sign3A_151 = arith.constant 0 : i32
      %sign3A_152 = arith.cmpi sgt, %mul3A_148, %sign3A_151 : i32
      %sign3A_153 = arith.extui %sign3A_152 : i1 to i32
      %sign3A_154 = arith.constant 0 : i32
      %sign3A_155 = arith.cmpi slt, %mul3A_148, %sign3A_154 : i32
      %sign3A_156 = arith.extui %sign3A_155 : i1 to i32
      %sign3A_157 = arith.subi %sign3A_153, %sign3A_156 : i32
      %sign3A_158 = arith.constant 0 : i32
      %sign3A_159 = arith.cmpi sgt, %jit3A_149, %sign3A_158 : i32
      %sign3A_160 = arith.extui %sign3A_159 : i1 to i32
      %sign3A_161 = arith.constant 0 : i32
      %sign3A_162 = arith.cmpi slt, %jit3A_149, %sign3A_161 : i32
      %sign3A_163 = arith.extui %sign3A_162 : i1 to i32
      %sign3A_164 = arith.subi %sign3A_160, %sign3A_163 : i32
      %ne3A_165 = arith.cmpi ne, %sign3A_157, %sign3A_164 : i32
      %rem3A_166 = arith.remsi %mul3A_148, %jit3A_149 : i32
      %ne3A_167 = arith.constant 0 : i32
      %ne3A_168 = arith.cmpi ne, %rem3A_166, %ne3A_167 : i32
      %and3A_169 = arith.andi %ne3A_165, %ne3A_168 : i1
      %sub3A_170 = arith.constant 1 : i32
      %sub3A_171 = arith.subi %div3A_150, %sub3A_170 : i32
      %select_n3A_172 = arith.select %and3A_169, %sub3A_171, %div3A_150 : i32
      %add3A_173 = arith.addi %select_n3A, %select_n3A_172 : i32
      %mul3A_174 = arith.constant 100000 : i32
      %mul3A_175 = arith.muli %add3A_173, %mul3A_174 : i32
      %mul3A_176 = arith.constant 16 : i32
      %mul3A_177 = arith.muli %scan3A_146, %mul3A_176 : i32
      %get3A_178 = arith.index_cast %mul3A_177 : i32 to index
      %get3A_179 = tpu.vector_load %arg7[%get3A_178] {strides = array<i32>} : memref<4096xi32, #tpu.memory_space<vmem>>, vector<16xi32>,
      %get3A_180 = vector.shape_cast %get3A_179 : vector<16xi32> to vector<16xi32>
      %add3A_181 = vector.broadcast %mul3A_175 : i32 to vector<16xi32>
      %add3A_182 = arith.addi %get3A_180, %add3A_181 : vector<16xi32>
      %mul3A_183 = arith.constant 16 : i32
      %mul3A_184 = arith.muli %scan3A_146, %mul3A_183 : i32
      %swap3A_185 = arith.index_cast %mul3A_184 : i32 to index
      %swap3A_186 = tpu.vector_load %arg8[%swap3A_185] {strides = array<i32>} : memref<4096xi32, #tpu.memory_space<vmem>>, vector<16xi32>,
      %swap3A_187 = vector.shape_cast %swap3A_186 : vector<16xi32> to vector<16xi32>
      %swap3A_188 = vector.shape_cast %add3A_182 : vector<16xi32> to vector<16xi32>
      tpu.vector_store %arg8[%swap3A_185], %swap3A_188 {strides = array<i32>} : memref<4096xi32, #tpu.memory_space<vmem>>, vector<16xi32>,
      %scan3A_189 = arith.constant 0 : i32
      %scan3A_190 = arith.constant 2 : i32
      %scan3A_191 = arith.addi %scan3A_102, %scan3A_190 : i32
      %mul3A_192 = arith.constant 16 : i32
      %mul3A_193 = arith.muli %scan3A_191, %mul3A_192 : i32
      %jit3A_194 = arith.constant 2048 : i32
      %div3A_195 = arith.divsi %mul3A_193, %jit3A_194 : i32
      %sign3A_196 = arith.constant 0 : i32
      %sign3A_197 = arith.cmpi sgt, %mul3A_193, %sign3A_196 : i32
      %sign3A_198 = arith.extui %sign3A_197 : i1 to i32
      %sign3A_199 = arith.constant 0 : i32
      %sign3A_200 = arith.cmpi slt, %mul3A_193, %sign3A_199 : i32
      %sign3A_201 = arith.extui %sign3A_200 : i1 to i32
      %sign3A_202 = arith.subi %sign3A_198, %sign3A_201 : i32
      %sign3A_203 = arith.constant 0 : i32
      %sign3A_204 = arith.cmpi sgt, %jit3A_194, %sign3A_203 : i32
      %sign3A_205 = arith.extui %sign3A_204 : i1 to i32
      %sign3A_206 = arith.constant 0 : i32
      %sign3A_207 = arith.cmpi slt, %jit3A_194, %sign3A_206 : i32
      %sign3A_208 = arith.extui %sign3A_207 : i1 to i32
      %sign3A_209 = arith.subi %sign3A_205, %sign3A_208 : i32
      %ne3A_210 = arith.cmpi ne, %sign3A_202, %sign3A_209 : i32
      %rem3A_211 = arith.remsi %mul3A_193, %jit3A_194 : i32
      %ne3A_212 = arith.constant 0 : i32
      %ne3A_213 = arith.cmpi ne, %rem3A_211, %ne3A_212 : i32
      %and3A_214 = arith.andi %ne3A_210, %ne3A_213 : i1
      %sub3A_215 = arith.constant 1 : i32
      %sub3A_216 = arith.subi %div3A_195, %sub3A_215 : i32
      %select_n3A_217 = arith.select %and3A_214, %sub3A_216, %div3A_195 : i32
      %add3A_218 = arith.addi %select_n3A, %select_n3A_217 : i32
      %mul3A_219 = arith.constant 100000 : i32
      %mul3A_220 = arith.muli %add3A_218, %mul3A_219 : i32
      %mul3A_221 = arith.constant 16 : i32
      %mul3A_222 = arith.muli %scan3A_191, %mul3A_221 : i32
      %get3A_223 = arith.index_cast %mul3A_222 : i32 to index
      %get3A_224 = tpu.vector_load %arg7[%get3A_223] {strides = array<i32>} : memref<4096xi32, #tpu.memory_space<vmem>>, vector<16xi32>,
      %get3A_225 = vector.shape_cast %get3A_224 : vector<16xi32> to vector<16xi32>
      %add3A_226 = vector.broadcast %mul3A_220 : i32 to vector<16xi32>
      %add3A_227 = arith.addi %get3A_225, %add3A_226 : vector<16xi32>
      %mul3A_228 = arith.constant 16 : i32
      %mul3A_229 = arith.muli %scan3A_191, %mul3A_228 : i32
      %swap3A_230 = arith.index_cast %mul3A_229 : i32 to index
      %swap3A_231 = tpu.vector_load %arg8[%swap3A_230] {strides = array<i32>} : memref<4096xi32, #tpu.memory_space<vmem>>, vector<16xi32>,
      %swap3A_232 = vector.shape_cast %swap3A_231 : vector<16xi32> to vector<16xi32>
      %swap3A_233 = vector.shape_cast %add3A_227 : vector<16xi32> to vector<16xi32>
      tpu.vector_store %arg8[%swap3A_230], %swap3A_233 {strides = array<i32>} : memref<4096xi32, #tpu.memory_space<vmem>>, vector<16xi32>,
      %scan3A_234 = arith.constant 0 : i32
      %scan3A_235 = arith.constant 3 : i32
      %scan3A_236 = arith.addi %scan3A_102, %scan3A_235 : i32
      %mul3A_237 = arith.constant 16 : i32
      %mul3A_238 = arith.muli %scan3A_236, %mul3A_237 : i32
      %jit3A_239 = arith.constant 2048 : i32
      %div3A_240 = arith.divsi %mul3A_238, %jit3A_239 : i32
      %sign3A_241 = arith.constant 0 : i32
      %sign3A_242 = arith.cmpi sgt, %mul3A_238, %sign3A_241 : i32
      %sign3A_243 = arith.extui %sign3A_242 : i1 to i32
      %sign3A_244 = arith.constant 0 : i32
      %sign3A_245 = arith.cmpi slt, %mul3A_238, %sign3A_244 : i32
      %sign3A_246 = arith.extui %sign3A_245 : i1 to i32
      %sign3A_247 = arith.subi %sign3A_243, %sign3A_246 : i32
      %sign3A_248 = arith.constant 0 : i32
      %sign3A_249 = arith.cmpi sgt, %jit3A_239, %sign3A_248 : i32
      %sign3A_250 = arith.extui %sign3A_249 : i1 to i32
      %sign3A_251 = arith.constant 0 : i32
      %sign3A_252 = arith.cmpi slt, %jit3A_239, %sign3A_251 : i32
      %sign3A_253 = arith.extui %sign3A_252 : i1 to i32
      %sign3A_254 = arith.subi %sign3A_250, %sign3A_253 : i32
      %ne3A_255 = arith.cmpi ne, %sign3A_247, %sign3A_254 : i32
      %rem3A_256 = arith.remsi %mul3A_238, %jit3A_239 : i32
      %ne3A_257 = arith.constant 0 : i32
      %ne3A_258 = arith.cmpi ne, %rem3A_256, %ne3A_257 : i32
      %and3A_259 = arith.andi %ne3A_255, %ne3A_258 : i1
      %sub3A_260 = arith.constant 1 : i32
      %sub3A_261 = arith.subi %div3A_240, %sub3A_260 : i32
      %select_n3A_262 = arith.select %and3A_259, %sub3A_261, %div3A_240 : i32
      %add3A_263 = arith.addi %select_n3A, %select_n3A_262 : i32
      %mul3A_264 = arith.constant 100000 : i32
      %mul3A_265 = arith.muli %add3A_263, %mul3A_264 : i32
      %mul3A_266 = arith.constant 16 : i32
      %mul3A_267 = arith.muli %scan3A_236, %mul3A_266 : i32
      %get3A_268 = arith.index_cast %mul3A_267 : i32 to index
      %get3A_269 = tpu.vector_load %arg7[%get3A_268] {strides = array<i32>} : memref<4096xi32, #tpu.memory_space<vmem>>, vector<16xi32>,
      %get3A_270 = vector.shape_cast %get3A_269 : vector<16xi32> to vector<16xi32>
      %add3A_271 = vector.broadcast %mul3A_265 : i32 to vector<16xi32>
      %add3A_272 = arith.addi %get3A_270, %add3A_271 : vector<16xi32>
      %mul3A_273 = arith.constant 16 : i32
      %mul3A_274 = arith.muli %scan3A_236, %mul3A_273 : i32
      %swap3A_275 = arith.index_cast %mul3A_274 : i32 to index
      %swap3A_276 = tpu.vector_load %arg8[%swap3A_275] {strides = array<i32>} : memref<4096xi32, #tpu.memory_space<vmem>>, vector<16xi32>,
      %swap3A_277 = vector.shape_cast %swap3A_276 : vector<16xi32> to vector<16xi32>
      %swap3A_278 = vector.shape_cast %add3A_272 : vector<16xi32> to vector<16xi32>
      tpu.vector_store %arg8[%swap3A_275], %swap3A_278 {strides = array<i32>} : memref<4096xi32, #tpu.memory_space<vmem>>, vector<16xi32>,
      %scan3A_279 = arith.constant 0 : i32
      %scan3A_280 = arith.constant 4 : i32
      %scan3A_281 = arith.addi %scan3A_102, %scan3A_280 : i32
      %mul3A_282 = arith.constant 16 : i32
      %mul3A_283 = arith.muli %scan3A_281, %mul3A_282 : i32
      %jit3A_284 = arith.constant 2048 : i32
      %div3A_285 = arith.divsi %mul3A_283, %jit3A_284 : i32
      %sign3A_286 = arith.constant 0 : i32
      %sign3A_287 = arith.cmpi sgt, %mul3A_283, %sign3A_286 : i32
      %sign3A_288 = arith.extui %sign3A_287 : i1 to i32
      %sign3A_289 = arith.constant 0 : i32
      %sign3A_290 = arith.cmpi slt, %mul3A_283, %sign3A_289 : i32
      %sign3A_291 = arith.extui %sign3A_290 : i1 to i32
      %sign3A_292 = arith.subi %sign3A_288, %sign3A_291 : i32
      %sign3A_293 = arith.constant 0 : i32
      %sign3A_294 = arith.cmpi sgt, %jit3A_284, %sign3A_293 : i32
      %sign3A_295 = arith.extui %sign3A_294 : i1 to i32
      %sign3A_296 = arith.constant 0 : i32
      %sign3A_297 = arith.cmpi slt, %jit3A_284, %sign3A_296 : i32
      %sign3A_298 = arith.extui %sign3A_297 : i1 to i32
      %sign3A_299 = arith.subi %sign3A_295, %sign3A_298 : i32
      %ne3A_300 = arith.cmpi ne, %sign3A_292, %sign3A_299 : i32
      %rem3A_301 = arith.remsi %mul3A_283, %jit3A_284 : i32
      %ne3A_302 = arith.constant 0 : i32
      %ne3A_303 = arith.cmpi ne, %rem3A_301, %ne3A_302 : i32
      %and3A_304 = arith.andi %ne3A_300, %ne3A_303 : i1
      %sub3A_305 = arith.constant 1 : i32
      %sub3A_306 = arith.subi %div3A_285, %sub3A_305 : i32
      %select_n3A_307 = arith.select %and3A_304, %sub3A_306, %div3A_285 : i32
      %add3A_308 = arith.addi %select_n3A, %select_n3A_307 : i32
      %mul3A_309 = arith.constant 100000 : i32
      %mul3A_310 = arith.muli %add3A_308, %mul3A_309 : i32
      %mul3A_311 = arith.constant 16 : i32
      %mul3A_312 = arith.muli %scan3A_281, %mul3A_311 : i32
      %get3A_313 = arith.index_cast %mul3A_312 : i32 to index
      %get3A_314 = tpu.vector_load %arg7[%get3A_313] {strides = array<i32>} : memref<4096xi32, #tpu.memory_space<vmem>>, vector<16xi32>,
      %get3A_315 = vector.shape_cast %get3A_314 : vector<16xi32> to vector<16xi32>
      %add3A_316 = vector.broadcast %mul3A_310 : i32 to vector<16xi32>
      %add3A_317 = arith.addi %get3A_315, %add3A_316 : vector<16xi32>
      %mul3A_318 = arith.constant 16 : i32
      %mul3A_319 = arith.muli %scan3A_281, %mul3A_318 : i32
      %swap3A_320 = arith.index_cast %mul3A_319 : i32 to index
      %swap3A_321 = tpu.vector_load %arg8[%swap3A_320] {strides = array<i32>} : memref<4096xi32, #tpu.memory_space<vmem>>, vector<16xi32>,
      %swap3A_322 = vector.shape_cast %swap3A_321 : vector<16xi32> to vector<16xi32>
      %swap3A_323 = vector.shape_cast %add3A_317 : vector<16xi32> to vector<16xi32>
      tpu.vector_store %arg8[%swap3A_320], %swap3A_323 {strides = array<i32>} : memref<4096xi32, #tpu.memory_space<vmem>>, vector<16xi32>,
      %scan3A_324 = arith.constant 0 : i32
      %scan3A_325 = arith.constant 5 : i32
      %scan3A_326 = arith.addi %scan3A_102, %scan3A_325 : i32
      %mul3A_327 = arith.constant 16 : i32
      %mul3A_328 = arith.muli %scan3A_326, %mul3A_327 : i32
      %jit3A_329 = arith.constant 2048 : i32
      %div3A_330 = arith.divsi %mul3A_328, %jit3A_329 : i32
      %sign3A_331 = arith.constant 0 : i32
      %sign3A_332 = arith.cmpi sgt, %mul3A_328, %sign3A_331 : i32
      %sign3A_333 = arith.extui %sign3A_332 : i1 to i32
      %sign3A_334 = arith.constant 0 : i32
      %sign3A_335 = arith.cmpi slt, %mul3A_328, %sign3A_334 : i32
      %sign3A_336 = arith.extui %sign3A_335 : i1 to i32
      %sign3A_337 = arith.subi %sign3A_333, %sign3A_336 : i32
      %sign3A_338 = arith.constant 0 : i32
      %sign3A_339 = arith.cmpi sgt, %jit3A_329, %sign3A_338 : i32
      %sign3A_340 = arith.extui %sign3A_339 : i1 to i32
      %sign3A_341 = arith.constant 0 : i32
      %sign3A_342 = arith.cmpi slt, %jit3A_329, %sign3A_341 : i32
      %sign3A_343 = arith.extui %sign3A_342 : i1 to i32
      %sign3A_344 = arith.subi %sign3A_340, %sign3A_343 : i32
      %ne3A_345 = arith.cmpi ne, %sign3A_337, %sign3A_344 : i32
      %rem3A_346 = arith.remsi %mul3A_328, %jit3A_329 : i32
      %ne3A_347 = arith.constant 0 : i32
      %ne3A_348 = arith.cmpi ne, %rem3A_346, %ne3A_347 : i32
      %and3A_349 = arith.andi %ne3A_345, %ne3A_348 : i1
      %sub3A_350 = arith.constant 1 : i32
      %sub3A_351 = arith.subi %div3A_330, %sub3A_350 : i32
      %select_n3A_352 = arith.select %and3A_349, %sub3A_351, %div3A_330 : i32
      %add3A_353 = arith.addi %select_n3A, %select_n3A_352 : i32
      %mul3A_354 = arith.constant 100000 : i32
      %mul3A_355 = arith.muli %add3A_353, %mul3A_354 : i32
      %mul3A_356 = arith.constant 16 : i32
      %mul3A_357 = arith.muli %scan3A_326, %mul3A_356 : i32
      %get3A_358 = arith.index_cast %mul3A_357 : i32 to index
      %get3A_359 = tpu.vector_load %arg7[%get3A_358] {strides = array<i32>} : memref<4096xi32, #tpu.memory_space<vmem>>, vector<16xi32>,
      %get3A_360 = vector.shape_cast %get3A_359 : vector<16xi32> to vector<16xi32>
      %add3A_361 = vector.broadcast %mul3A_355 : i32 to vector<16xi32>
      %add3A_362 = arith.addi %get3A_360, %add3A_361 : vector<16xi32>
      %mul3A_363 = arith.constant 16 : i32
      %mul3A_364 = arith.muli %scan3A_326, %mul3A_363 : i32
      %swap3A_365 = arith.index_cast %mul3A_364 : i32 to index
      %swap3A_366 = tpu.vector_load %arg8[%swap3A_365] {strides = array<i32>} : memref<4096xi32, #tpu.memory_space<vmem>>, vector<16xi32>,
      %swap3A_367 = vector.shape_cast %swap3A_366 : vector<16xi32> to vector<16xi32>
      %swap3A_368 = vector.shape_cast %add3A_362 : vector<16xi32> to vector<16xi32>
      tpu.vector_store %arg8[%swap3A_365], %swap3A_368 {strides = array<i32>} : memref<4096xi32, #tpu.memory_space<vmem>>, vector<16xi32>,
      %scan3A_369 = arith.constant 0 : i32
      %scan3A_370 = arith.constant 6 : i32
      %scan3A_371 = arith.addi %scan3A_102, %scan3A_370 : i32
      %mul3A_372 = arith.constant 16 : i32
      %mul3A_373 = arith.muli %scan3A_371, %mul3A_372 : i32
      %jit3A_374 = arith.constant 2048 : i32
      %div3A_375 = arith.divsi %mul3A_373, %jit3A_374 : i32
      %sign3A_376 = arith.constant 0 : i32
      %sign3A_377 = arith.cmpi sgt, %mul3A_373, %sign3A_376 : i32
      %sign3A_378 = arith.extui %sign3A_377 : i1 to i32
      %sign3A_379 = arith.constant 0 : i32
      %sign3A_380 = arith.cmpi slt, %mul3A_373, %sign3A_379 : i32
      %sign3A_381 = arith.extui %sign3A_380 : i1 to i32
      %sign3A_382 = arith.subi %sign3A_378, %sign3A_381 : i32
      %sign3A_383 = arith.constant 0 : i32
      %sign3A_384 = arith.cmpi sgt, %jit3A_374, %sign3A_383 : i32
      %sign3A_385 = arith.extui %sign3A_384 : i1 to i32
      %sign3A_386 = arith.constant 0 : i32
      %sign3A_387 = arith.cmpi slt, %jit3A_374, %sign3A_386 : i32
      %sign3A_388 = arith.extui %sign3A_387 : i1 to i32
      %sign3A_389 = arith.subi %sign3A_385, %sign3A_388 : i32
      %ne3A_390 = arith.cmpi ne, %sign3A_382, %sign3A_389 : i32
      %rem3A_391 = arith.remsi %mul3A_373, %jit3A_374 : i32
      %ne3A_392 = arith.constant 0 : i32
      %ne3A_393 = arith.cmpi ne, %rem3A_391, %ne3A_392 : i32
      %and3A_394 = arith.andi %ne3A_390, %ne3A_393 : i1
      %sub3A_395 = arith.constant 1 : i32
      %sub3A_396 = arith.subi %div3A_375, %sub3A_395 : i32
      %select_n3A_397 = arith.select %and3A_394, %sub3A_396, %div3A_375 : i32
      %add3A_398 = arith.addi %select_n3A, %select_n3A_397 : i32
      %mul3A_399 = arith.constant 100000 : i32
      %mul3A_400 = arith.muli %add3A_398, %mul3A_399 : i32
      %mul3A_401 = arith.constant 16 : i32
      %mul3A_402 = arith.muli %scan3A_371, %mul3A_401 : i32
      %get3A_403 = arith.index_cast %mul3A_402 : i32 to index
      %get3A_404 = tpu.vector_load %arg7[%get3A_403] {strides = array<i32>} : memref<4096xi32, #tpu.memory_space<vmem>>, vector<16xi32>,
      %get3A_405 = vector.shape_cast %get3A_404 : vector<16xi32> to vector<16xi32>
      %add3A_406 = vector.broadcast %mul3A_400 : i32 to vector<16xi32>
      %add3A_407 = arith.addi %get3A_405, %add3A_406 : vector<16xi32>
      %mul3A_408 = arith.constant 16 : i32
      %mul3A_409 = arith.muli %scan3A_371, %mul3A_408 : i32
      %swap3A_410 = arith.index_cast %mul3A_409 : i32 to index
      %swap3A_411 = tpu.vector_load %arg8[%swap3A_410] {strides = array<i32>} : memref<4096xi32, #tpu.memory_space<vmem>>, vector<16xi32>,
      %swap3A_412 = vector.shape_cast %swap3A_411 : vector<16xi32> to vector<16xi32>
      %swap3A_413 = vector.shape_cast %add3A_407 : vector<16xi32> to vector<16xi32>
      tpu.vector_store %arg8[%swap3A_410], %swap3A_413 {strides = array<i32>} : memref<4096xi32, #tpu.memory_space<vmem>>, vector<16xi32>,
      %scan3A_414 = arith.constant 0 : i32
      %scan3A_415 = arith.constant 7 : i32
      %scan3A_416 = arith.addi %scan3A_102, %scan3A_415 : i32
      %mul3A_417 = arith.constant 16 : i32
      %mul3A_418 = arith.muli %scan3A_416, %mul3A_417 : i32
      %jit3A_419 = arith.constant 2048 : i32
      %div3A_420 = arith.divsi %mul3A_418, %jit3A_419 : i32
      %sign3A_421 = arith.constant 0 : i32
      %sign3A_422 = arith.cmpi sgt, %mul3A_418, %sign3A_421 : i32
      %sign3A_423 = arith.extui %sign3A_422 : i1 to i32
      %sign3A_424 = arith.constant 0 : i32
      %sign3A_425 = arith.cmpi slt, %mul3A_418, %sign3A_424 : i32
      %sign3A_426 = arith.extui %sign3A_425 : i1 to i32
      %sign3A_427 = arith.subi %sign3A_423, %sign3A_426 : i32
      %sign3A_428 = arith.constant 0 : i32
      %sign3A_429 = arith.cmpi sgt, %jit3A_419, %sign3A_428 : i32
      %sign3A_430 = arith.extui %sign3A_429 : i1 to i32
      %sign3A_431 = arith.constant 0 : i32
      %sign3A_432 = arith.cmpi slt, %jit3A_419, %sign3A_431 : i32
      %sign3A_433 = arith.extui %sign3A_432 : i1 to i32
      %sign3A_434 = arith.subi %sign3A_430, %sign3A_433 : i32
      %ne3A_435 = arith.cmpi ne, %sign3A_427, %sign3A_434 : i32
      %rem3A_436 = arith.remsi %mul3A_418, %jit3A_419 : i32
      %ne3A_437 = arith.constant 0 : i32
      %ne3A_438 = arith.cmpi ne, %rem3A_436, %ne3A_437 : i32
      %and3A_439 = arith.andi %ne3A_435, %ne3A_438 : i1
      %sub3A_440 = arith.constant 1 : i32
      %sub3A_441 = arith.subi %div3A_420, %sub3A_440 : i32
      %select_n3A_442 = arith.select %and3A_439, %sub3A_441, %div3A_420 : i32
      %add3A_443 = arith.addi %select_n3A, %select_n3A_442 : i32
      %mul3A_444 = arith.constant 100000 : i32
      %mul3A_445 = arith.muli %add3A_443, %mul3A_444 : i32
      %mul3A_446 = arith.constant 16 : i32
      %mul3A_447 = arith.muli %scan3A_416, %mul3A_446 : i32
      %get3A_448 = arith.index_cast %mul3A_447 : i32 to index
      %get3A_449 = tpu.vector_load %arg7[%get3A_448] {strides = array<i32>} : memref<4096xi32, #tpu.memory_space<vmem>>, vector<16xi32>,
      %get3A_450 = vector.shape_cast %get3A_449 : vector<16xi32> to vector<16xi32>
      %add3A_451 = vector.broadcast %mul3A_445 : i32 to vector<16xi32>
      %add3A_452 = arith.addi %get3A_450, %add3A_451 : vector<16xi32>
      %mul3A_453 = arith.constant 16 : i32
      %mul3A_454 = arith.muli %scan3A_416, %mul3A_453 : i32
      %swap3A_455 = arith.index_cast %mul3A_454 : i32 to index
      %swap3A_456 = tpu.vector_load %arg8[%swap3A_455] {strides = array<i32>} : memref<4096xi32, #tpu.memory_space<vmem>>, vector<16xi32>,
      %swap3A_457 = vector.shape_cast %swap3A_456 : vector<16xi32> to vector<16xi32>
      %swap3A_458 = vector.shape_cast %add3A_452 : vector<16xi32> to vector<16xi32>
      tpu.vector_store %arg8[%swap3A_455], %swap3A_458 {strides = array<i32>} : memref<4096xi32, #tpu.memory_space<vmem>>, vector<16xi32>,
      %scan3A_459 = arith.constant 0 : i32
      scf.yield %scan3A_459 : i32
    }
    %scan3A_26 = arith.constant 256 : i32
    %dma_start3A = arith.constant 0 : i32
    %dma_start3A_27 = arith.constant 0 : i32
    %dma_start3A_28 = arith.constant 0 : i32
    %dma_start3A_29 = tpu.memref_slice %arg9[%dma_start3A, %dma_start3A_27, %dma_start3A_28] : memref<2x512x64xf32, #tpu.memory_space<vmem>> -> memref<1x512x64xf32, #tpu.memory_space<vmem>>
    %dma_start3A_30 = tpu.memref_squeeze %dma_start3A_29 : memref<1x512x64xf32, #tpu.memory_space<vmem>> -> memref<512x64xf32, #tpu.memory_space<vmem>>
    %dma_start3A_31 = arith.constant 0 : i32
    %dma_start3A_32 = tpu.memref_slice %arg7[%dma_start3A_31] : memref<4096xi32, #tpu.memory_space<vmem>> -> memref<512xi32, #tpu.memory_space<vmem>>
    %dma_start3A_33 = arith.constant 0 : i32
    %dma_start3A_34 = arith.constant 0 : i32
    %dma_start3A_35 = tpu.memref_slice %arg4[%dma_start3A_33, %dma_start3A_34] : memref<100000x64xf32, #tpu.memory_space<hbm>> -> memref<100000x64xf32, #tpu.memory_space<hbm>>
    tpu.enqueue_indirect_dma source(%dma_start3A_35 : memref<100000x64xf32, #tpu.memory_space<hbm>>) target(%dma_start3A_30 : memref<512x64xf32, #tpu.memory_space<vmem>>) offsets(%dma_start3A_32 : memref<512xi32, #tpu.memory_space<vmem>>) semaphore(%arg11 : memref<!tpu.dma_semaphore, #tpu.memory_space<semaphore_mem>>)
    %dma_start3A_36 = arith.constant 0 : i32
    %dma_start3A_37 = arith.constant 0 : i32
    %dma_start3A_38 = tpu.memref_slice %arg10[%dma_start3A_36, %dma_start3A_37] : memref<2x512xf32, #tpu.memory_space<vmem>> -> memref<1x512xf32, #tpu.memory_space<vmem>>
    %dma_start3A_39 = tpu.memref_squeeze %dma_start3A_38 : memref<1x512xf32, #tpu.memory_space<vmem>> -> memref<512xf32, #tpu.memory_space<vmem>>
    %dma_start3A_40 = arith.constant 0 : i32
    %dma_start3A_41 = tpu.memref_slice %arg8[%dma_start3A_40] : memref<4096xi32, #tpu.memory_space<vmem>> -> memref<512xi32, #tpu.memory_space<vmem>>
    %dma_start3A_42 = arith.constant 0 : i32
    %dma_start3A_43 = tpu.memref_slice %arg3[%dma_start3A_42] : memref<6400000xf32, #tpu.memory_space<hbm>> -> memref<6400000xf32, #tpu.memory_space<hbm>>
    tpu.enqueue_indirect_dma source(%dma_start3A_43 : memref<6400000xf32, #tpu.memory_space<hbm>>) target(%dma_start3A_39 : memref<512xf32, #tpu.memory_space<vmem>>) offsets(%dma_start3A_41 : memref<512xi32, #tpu.memory_space<vmem>>) semaphore(%arg13 : memref<!tpu.dma_semaphore, #tpu.memory_space<semaphore_mem>>)
    %scan3A_44 = arith.constant 0 : i32
    %scan3A_45 = arith.constant 0 : i32
    %scan3A_46 = arith.constant 4 : i32
    %scan3A_47 = arith.addi %scan3A_45, %scan3A_46 : i32
    %scan3A_48 = arith.constant 1 : i32
    %scan3A_49 = scf.for %scan3A_102 = %scan3A_45 to %scan3A_47 step %scan3A_48 iter_args(%scan3A_103 = %scan3A_44) -> (i32)  : i32 {
      %mul3A_104 = arith.constant 2 : i32
      %mul3A_105 = arith.muli %scan3A_102, %mul3A_104 : i32
      %add3A_106 = arith.constant 0 : i32
      %add3A_107 = arith.addi %mul3A_105, %add3A_106 : i32
      %add3A_108 = arith.constant 1 : i32
      %add3A_109 = arith.addi %add3A_107, %add3A_108 : i32
      %lt3A = arith.constant 8 : i32
      %lt3A_110 = arith.cmpi slt, %add3A_109, %lt3A : i32
      %convert_element_type3A = arith.extui %lt3A_110 : i1 to i32
      %cond3A = arith.constant 0 : i32
      %cond3A_111 = arith.cmpi ne, %convert_element_type3A, %cond3A : i32
      scf.if %cond3A_111 {
        %add3A_216 = arith.constant 1 : i32
        %add3A_217 = arith.addi %add3A_107, %add3A_216 : i32
        %ge3A = arith.constant 2 : i32
        %ge3A_218 = arith.cmpi sge, %add3A_217, %ge3A : i32
        %convert_element_type3A_219 = arith.extui %ge3A_218 : i1 to i32
        %cond3A_220 = arith.constant 0 : i32
        %cond3A_221 = arith.cmpi ne, %convert_element_type3A_219, %cond3A_220 : i32
        scf.if %cond3A_221 {
          %sub3A_242 = arith.constant 1 : i32
          %sub3A_243 = arith.subi %add3A_107, %sub3A_242 : i32
          %mul3A_244 = arith.constant 512 : i32
          %mul3A_245 = arith.muli %sub3A_243, %mul3A_244 : i32
          %add3A_246 = arith.addi %mul3A_2, %mul3A_245 : i32
          %dma_wait3A_247 = arith.constant 1 : i32
          %dma_wait3A_248 = arith.constant 0 : i32
          %dma_wait3A_249 = arith.constant 0 : i32
          %dma_wait3A_250 = tpu.memref_slice %arg9[%dma_wait3A_247, %dma_wait3A_248, %dma_wait3A_249] : memref<2x512x64xf32, #tpu.memory_space<vmem>> -> memref<1x512x64xf32, #tpu.memory_space<vmem>>
          %dma_wait3A_251 = tpu.memref_squeeze %dma_wait3A_250 : memref<1x512x64xf32, #tpu.memory_space<vmem>> -> memref<512x64xf32, #tpu.memory_space<vmem>>
          %dma_wait3A_252 = arith.constant 0 : i32
          %dma_wait3A_253 = tpu.memref_slice %arg5[%add3A_246, %dma_wait3A_252] : memref<131072x64xf32, #tpu.memory_space<hbm>> -> memref<512x64xf32, #tpu.memory_space<hbm>>
          %dma_wait3A_254 = arith.constant 0 : i32
          %dma_wait3A_255 = tpu.memref_slice %arg5[%add3A_246, %dma_wait3A_254] : memref<131072x64xf32, #tpu.memory_space<hbm>> -> memref<512x64xf32, #tpu.memory_space<hbm>>
          %dma_wait3A_256 = arith.constant 0 : i32
          %dma_wait3A_257 = arith.constant 0 : i32
          %dma_wait3A_258 = tpu.memref_slice %arg9[%dma_wait3A_247, %dma_wait3A_256, %dma_wait3A_257] : memref<2x512x64xf32, #tpu.memory_space<vmem>> -> memref<1x512x64xf32, #tpu.memory_space<vmem>>
          %dma_wait3A_259 = tpu.memref_squeeze %dma_wait3A_258 : memref<1x512x64xf32, #tpu.memory_space<vmem>> -> memref<512x64xf32, #tpu.memory_space<vmem>>
          tpu.wait_dma2 semaphore(%arg16 : memref<!tpu.dma_semaphore, #tpu.memory_space<semaphore_mem>>) src(%dma_wait3A_259 : memref<512x64xf32, #tpu.memory_space<vmem>>) dst(%dma_wait3A_255 : memref<512x64xf32, #tpu.memory_space<hbm>>)
          %mul3A_260 = arith.constant 512 : i32
          %mul3A_261 = arith.muli %sub3A_243, %mul3A_260 : i32
          %add3A_262 = arith.addi %mul3A_2, %mul3A_261 : i32
          %dma_wait3A_263 = arith.constant 1 : i32
          %dma_wait3A_264 = arith.constant 0 : i32
          %dma_wait3A_265 = tpu.memref_slice %arg10[%dma_wait3A_263, %dma_wait3A_264] : memref<2x512xf32, #tpu.memory_space<vmem>> -> memref<1x512xf32, #tpu.memory_space<vmem>>
          %dma_wait3A_266 = tpu.memref_squeeze %dma_wait3A_265 : memref<1x512xf32, #tpu.memory_space<vmem>> -> memref<512xf32, #tpu.memory_space<vmem>>
          %dma_wait3A_267 = tpu.memref_slice %arg6[%add3A_262] : memref<131072xf32, #tpu.memory_space<hbm>> -> memref<512xf32, #tpu.memory_space<hbm>>
          %dma_wait3A_268 = tpu.memref_slice %arg6[%add3A_262] : memref<131072xf32, #tpu.memory_space<hbm>> -> memref<512xf32, #tpu.memory_space<hbm>>
          %dma_wait3A_269 = arith.constant 0 : i32
          %dma_wait3A_270 = tpu.memref_slice %arg10[%dma_wait3A_263, %dma_wait3A_269] : memref<2x512xf32, #tpu.memory_space<vmem>> -> memref<1x512xf32, #tpu.memory_space<vmem>>
          %dma_wait3A_271 = tpu.memref_squeeze %dma_wait3A_270 : memref<1x512xf32, #tpu.memory_space<vmem>> -> memref<512xf32, #tpu.memory_space<vmem>>
          tpu.wait_dma2 semaphore(%arg18 : memref<!tpu.dma_semaphore, #tpu.memory_space<semaphore_mem>>) src(%dma_wait3A_271 : memref<512xf32, #tpu.memory_space<vmem>>) dst(%dma_wait3A_268 : memref<512xf32, #tpu.memory_space<hbm>>)
        } else {
        }
        %add3A_222 = arith.constant 1 : i32
        %add3A_223 = arith.addi %add3A_107, %add3A_222 : i32
        %mul3A_224 = arith.constant 512 : i32
        %mul3A_225 = arith.muli %add3A_223, %mul3A_224 : i32
        %dma_start3A_226 = arith.constant 1 : i32
        %dma_start3A_227 = arith.constant 0 : i32
        %dma_start3A_228 = arith.constant 0 : i32
        %dma_start3A_229 = tpu.memref_slice %arg9[%dma_start3A_226, %dma_start3A_227, %dma_start3A_228] : memref<2x512x64xf32, #tpu.memory_space<vmem>> -> memref<1x512x64xf32, #tpu.memory_space<vmem>>
        %dma_start3A_230 = tpu.memref_squeeze %dma_start3A_229 : memref<1x512x64xf32, #tpu.memory_space<vmem>> -> memref<512x64xf32, #tpu.memory_space<vmem>>
        %dma_start3A_231 = tpu.memref_slice %arg7[%mul3A_225] : memref<4096xi32, #tpu.memory_space<vmem>> -> memref<512xi32, #tpu.memory_space<vmem>>
        %dma_start3A_232 = arith.constant 0 : i32
        %dma_start3A_233 = arith.constant 0 : i32
        %dma_start3A_234 = tpu.memref_slice %arg4[%dma_start3A_232, %dma_start3A_233] : memref<100000x64xf32, #tpu.memory_space<hbm>> -> memref<100000x64xf32, #tpu.memory_space<hbm>>
        tpu.enqueue_indirect_dma source(%dma_start3A_234 : memref<100000x64xf32, #tpu.memory_space<hbm>>) target(%dma_start3A_230 : memref<512x64xf32, #tpu.memory_space<vmem>>) offsets(%dma_start3A_231 : memref<512xi32, #tpu.memory_space<vmem>>) semaphore(%arg12 : memref<!tpu.dma_semaphore, #tpu.memory_space<semaphore_mem>>)
        %dma_start3A_235 = arith.constant 1 : i32
        %dma_start3A_236 = arith.constant 0 : i32
        %dma_start3A_237 = tpu.memref_slice %arg10[%dma_start3A_235, %dma_start3A_236] : memref<2x512xf32, #tpu.memory_space<vmem>> -> memref<1x512xf32, #tpu.memory_space<vmem>>
        %dma_start3A_238 = tpu.memref_squeeze %dma_start3A_237 : memref<1x512xf32, #tpu.memory_space<vmem>> -> memref<512xf32, #tpu.memory_space<vmem>>
        %dma_start3A_239 = tpu.memref_slice %arg8[%mul3A_225] : memref<4096xi32, #tpu.memory_space<vmem>> -> memref<512xi32, #tpu.memory_space<vmem>>
        %dma_start3A_240 = arith.constant 0 : i32
        %dma_start3A_241 = tpu.memref_slice %arg3[%dma_start3A_240] : memref<6400000xf32, #tpu.memory_space<hbm>> -> memref<6400000xf32, #tpu.memory_space<hbm>>
        tpu.enqueue_indirect_dma source(%dma_start3A_241 : memref<6400000xf32, #tpu.memory_space<hbm>>) target(%dma_start3A_238 : memref<512xf32, #tpu.memory_space<vmem>>) offsets(%dma_start3A_239 : memref<512xi32, #tpu.memory_space<vmem>>) semaphore(%arg14 : memref<!tpu.dma_semaphore, #tpu.memory_space<semaphore_mem>>)
      } else {
      }
      %mul3A_112 = arith.constant 512 : i32
      %mul3A_113 = arith.muli %add3A_107, %mul3A_112 : i32
      %dma_wait3A_114 = arith.constant 0 : i32
      %dma_wait3A_115 = arith.constant 0 : i32
      %dma_wait3A_116 = arith.constant 0 : i32
      %dma_wait3A_117 = tpu.memref_slice %arg9[%dma_wait3A_114, %dma_wait3A_115, %dma_wait3A_116] : memref<2x512x64xf32, #tpu.memory_space<vmem>> -> memref<1x512x64xf32, #tpu.memory_space<vmem>>
      %dma_wait3A_118 = tpu.memref_squeeze %dma_wait3A_117 : memref<1x512x64xf32, #tpu.memory_space<vmem>> -> memref<512x64xf32, #tpu.memory_space<vmem>>
      %dma_wait3A_119 = tpu.memref_slice %arg7[%mul3A_113] : memref<4096xi32, #tpu.memory_space<vmem>> -> memref<512xi32, #tpu.memory_space<vmem>>
      %dma_wait3A_120 = arith.constant 0 : i32
      %dma_wait3A_121 = arith.constant 0 : i32
      %dma_wait3A_122 = tpu.memref_slice %arg4[%dma_wait3A_120, %dma_wait3A_121] : memref<100000x64xf32, #tpu.memory_space<hbm>> -> memref<100000x64xf32, #tpu.memory_space<hbm>>
      tpu.wait_indirect_dma semaphore(%arg11 : memref<!tpu.dma_semaphore, #tpu.memory_space<semaphore_mem>>) src(%dma_wait3A_122 : memref<100000x64xf32, #tpu.memory_space<hbm>>) dst(%dma_wait3A_118 : memref<512x64xf32, #tpu.memory_space<vmem>>)
      %dma_wait3A_123 = arith.constant 0 : i32
      %dma_wait3A_124 = arith.constant 0 : i32
      %dma_wait3A_125 = tpu.memref_slice %arg10[%dma_wait3A_123, %dma_wait3A_124] : memref<2x512xf32, #tpu.memory_space<vmem>> -> memref<1x512xf32, #tpu.memory_space<vmem>>
      %dma_wait3A_126 = tpu.memref_squeeze %dma_wait3A_125 : memref<1x512xf32, #tpu.memory_space<vmem>> -> memref<512xf32, #tpu.memory_space<vmem>>
      %dma_wait3A_127 = tpu.memref_slice %arg8[%mul3A_113] : memref<4096xi32, #tpu.memory_space<vmem>> -> memref<512xi32, #tpu.memory_space<vmem>>
      %dma_wait3A_128 = arith.constant 0 : i32
      %dma_wait3A_129 = tpu.memref_slice %arg3[%dma_wait3A_128] : memref<6400000xf32, #tpu.memory_space<hbm>> -> memref<6400000xf32, #tpu.memory_space<hbm>>
      tpu.wait_indirect_dma semaphore(%arg13 : memref<!tpu.dma_semaphore, #tpu.memory_space<semaphore_mem>>) src(%dma_wait3A_129 : memref<6400000xf32, #tpu.memory_space<hbm>>) dst(%dma_wait3A_126 : memref<512xf32, #tpu.memory_space<vmem>>)
      %mul3A_130 = arith.constant 512 : i32
      %mul3A_131 = arith.muli %add3A_107, %mul3A_130 : i32
      %add3A_132 = arith.addi %mul3A_2, %mul3A_131 : i32
      %dma_start3A_133 = arith.constant 0 : i32
      %dma_start3A_134 = arith.constant 0 : i32
      %dma_start3A_135 = arith.constant 0 : i32
      %dma_start3A_136 = tpu.memref_slice %arg9[%dma_start3A_133, %dma_start3A_134, %dma_start3A_135] : memref<2x512x64xf32, #tpu.memory_space<vmem>> -> memref<1x512x64xf32, #tpu.memory_space<vmem>>
      %dma_start3A_137 = tpu.memref_squeeze %dma_start3A_136 : memref<1x512x64xf32, #tpu.memory_space<vmem>> -> memref<512x64xf32, #tpu.memory_space<vmem>>
      %dma_start3A_138 = arith.constant 0 : i32
      %dma_start3A_139 = tpu.memref_slice %arg5[%add3A_132, %dma_start3A_138] : memref<131072x64xf32, #tpu.memory_space<hbm>> -> memref<512x64xf32, #tpu.memory_space<hbm>>
      %dma_start3A_140 = arith.constant 0 : i32
      %dma_start3A_141 = tpu.memref_slice %arg5[%add3A_132, %dma_start3A_140] : memref<131072x64xf32, #tpu.memory_space<hbm>> -> memref<512x64xf32, #tpu.memory_space<hbm>>
      %dma_start3A_142 = arith.constant 0 : i32
      %dma_start3A_143 = arith.constant 0 : i32
      %dma_start3A_144 = tpu.memref_slice %arg9[%dma_start3A_133, %dma_start3A_142, %dma_start3A_143] : memref<2x512x64xf32, #tpu.memory_space<vmem>> -> memref<1x512x64xf32, #tpu.memory_space<vmem>>
      %dma_start3A_145 = tpu.memref_squeeze %dma_start3A_144 : memref<1x512x64xf32, #tpu.memory_space<vmem>> -> memref<512x64xf32, #tpu.memory_space<vmem>>
      tpu.enqueue_dma source(%dma_start3A_145 : memref<512x64xf32, #tpu.memory_space<vmem>>) target(%dma_start3A_141 : memref<512x64xf32, #tpu.memory_space<hbm>>) target_semaphore(%arg15 : memref<!tpu.dma_semaphore, #tpu.memory_space<semaphore_mem>>)
      %mul3A_146 = arith.constant 512 : i32
      %mul3A_147 = arith.muli %add3A_107, %mul3A_146 : i32
      %add3A_148 = arith.addi %mul3A_2, %mul3A_147 : i32
      %dma_start3A_149 = arith.constant 0 : i32
      %dma_start3A_150 = arith.constant 0 : i32
      %dma_start3A_151 = tpu.memref_slice %arg10[%dma_start3A_149, %dma_start3A_150] : memref<2x512xf32, #tpu.memory_space<vmem>> -> memref<1x512xf32, #tpu.memory_space<vmem>>
      %dma_start3A_152 = tpu.memref_squeeze %dma_start3A_151 : memref<1x512xf32, #tpu.memory_space<vmem>> -> memref<512xf32, #tpu.memory_space<vmem>>
      %dma_start3A_153 = tpu.memref_slice %arg6[%add3A_148] : memref<131072xf32, #tpu.memory_space<hbm>> -> memref<512xf32, #tpu.memory_space<hbm>>
      %dma_start3A_154 = tpu.memref_slice %arg6[%add3A_148] : memref<131072xf32, #tpu.memory_space<hbm>> -> memref<512xf32, #tpu.memory_space<hbm>>
      %dma_start3A_155 = arith.constant 0 : i32
      %dma_start3A_156 = tpu.memref_slice %arg10[%dma_start3A_149, %dma_start3A_155] : memref<2x512xf32, #tpu.memory_space<vmem>> -> memref<1x512xf32, #tpu.memory_space<vmem>>
      %dma_start3A_157 = tpu.memref_squeeze %dma_start3A_156 : memref<1x512xf32, #tpu.memory_space<vmem>> -> memref<512xf32, #tpu.memory_space<vmem>>
      tpu.enqueue_dma source(%dma_start3A_157 : memref<512xf32, #tpu.memory_space<vmem>>) target(%dma_start3A_154 : memref<512xf32, #tpu.memory_space<hbm>>) target_semaphore(%arg17 : memref<!tpu.dma_semaphore, #tpu.memory_space<semaphore_mem>>)
      %mul3A_158 = arith.constant 2 : i32
      %mul3A_159 = arith.muli %scan3A_102, %mul3A_158 : i32
      %add3A_160 = arith.constant 1 : i32
      %add3A_161 = arith.addi %mul3A_159, %add3A_160 : i32
      %add3A_162 = arith.constant 1 : i32
      %add3A_163 = arith.addi %add3A_161, %add3A_162 : i32
      %lt3A_164 = arith.constant 8 : i32
      %lt3A_165 = arith.cmpi slt, %add3A_163, %lt3A_164 : i32
      %convert_element_type3A_166 = arith.extui %lt3A_165 : i1 to i32
      %cond3A_167 = arith.constant 0 : i32
      %cond3A_168 = arith.cmpi ne, %convert_element_type3A_166, %cond3A_167 : i32
      scf.if %cond3A_168 {
        %add3A_216 = arith.constant 1 : i32
        %add3A_217 = arith.addi %add3A_161, %add3A_216 : i32
        %ge3A = arith.constant 2 : i32
        %ge3A_218 = arith.cmpi sge, %add3A_217, %ge3A : i32
        %convert_element_type3A_219 = arith.extui %ge3A_218 : i1 to i32
        %cond3A_220 = arith.constant 0 : i32
        %cond3A_221 = arith.cmpi ne, %convert_element_type3A_219, %cond3A_220 : i32
        scf.if %cond3A_221 {
          %sub3A_242 = arith.constant 1 : i32
          %sub3A_243 = arith.subi %add3A_161, %sub3A_242 : i32
          %mul3A_244 = arith.constant 512 : i32
          %mul3A_245 = arith.muli %sub3A_243, %mul3A_244 : i32
          %add3A_246 = arith.addi %mul3A_2, %mul3A_245 : i32
          %dma_wait3A_247 = arith.constant 0 : i32
          %dma_wait3A_248 = arith.constant 0 : i32
          %dma_wait3A_249 = arith.constant 0 : i32
          %dma_wait3A_250 = tpu.memref_slice %arg9[%dma_wait3A_247, %dma_wait3A_248, %dma_wait3A_249] : memref<2x512x64xf32, #tpu.memory_space<vmem>> -> memref<1x512x64xf32, #tpu.memory_space<vmem>>
          %dma_wait3A_251 = tpu.memref_squeeze %dma_wait3A_250 : memref<1x512x64xf32, #tpu.memory_space<vmem>> -> memref<512x64xf32, #tpu.memory_space<vmem>>
          %dma_wait3A_252 = arith.constant 0 : i32
          %dma_wait3A_253 = tpu.memref_slice %arg5[%add3A_246, %dma_wait3A_252] : memref<131072x64xf32, #tpu.memory_space<hbm>> -> memref<512x64xf32, #tpu.memory_space<hbm>>
          %dma_wait3A_254 = arith.constant 0 : i32
          %dma_wait3A_255 = tpu.memref_slice %arg5[%add3A_246, %dma_wait3A_254] : memref<131072x64xf32, #tpu.memory_space<hbm>> -> memref<512x64xf32, #tpu.memory_space<hbm>>
          %dma_wait3A_256 = arith.constant 0 : i32
          %dma_wait3A_257 = arith.constant 0 : i32
          %dma_wait3A_258 = tpu.memref_slice %arg9[%dma_wait3A_247, %dma_wait3A_256, %dma_wait3A_257] : memref<2x512x64xf32, #tpu.memory_space<vmem>> -> memref<1x512x64xf32, #tpu.memory_space<vmem>>
          %dma_wait3A_259 = tpu.memref_squeeze %dma_wait3A_258 : memref<1x512x64xf32, #tpu.memory_space<vmem>> -> memref<512x64xf32, #tpu.memory_space<vmem>>
          tpu.wait_dma2 semaphore(%arg15 : memref<!tpu.dma_semaphore, #tpu.memory_space<semaphore_mem>>) src(%dma_wait3A_259 : memref<512x64xf32, #tpu.memory_space<vmem>>) dst(%dma_wait3A_255 : memref<512x64xf32, #tpu.memory_space<hbm>>)
          %mul3A_260 = arith.constant 512 : i32
          %mul3A_261 = arith.muli %sub3A_243, %mul3A_260 : i32
          %add3A_262 = arith.addi %mul3A_2, %mul3A_261 : i32
          %dma_wait3A_263 = arith.constant 0 : i32
          %dma_wait3A_264 = arith.constant 0 : i32
          %dma_wait3A_265 = tpu.memref_slice %arg10[%dma_wait3A_263, %dma_wait3A_264] : memref<2x512xf32, #tpu.memory_space<vmem>> -> memref<1x512xf32, #tpu.memory_space<vmem>>
          %dma_wait3A_266 = tpu.memref_squeeze %dma_wait3A_265 : memref<1x512xf32, #tpu.memory_space<vmem>> -> memref<512xf32, #tpu.memory_space<vmem>>
          %dma_wait3A_267 = tpu.memref_slice %arg6[%add3A_262] : memref<131072xf32, #tpu.memory_space<hbm>> -> memref<512xf32, #tpu.memory_space<hbm>>
          %dma_wait3A_268 = tpu.memref_slice %arg6[%add3A_262] : memref<131072xf32, #tpu.memory_space<hbm>> -> memref<512xf32, #tpu.memory_space<hbm>>
          %dma_wait3A_269 = arith.constant 0 : i32
          %dma_wait3A_270 = tpu.memref_slice %arg10[%dma_wait3A_263, %dma_wait3A_269] : memref<2x512xf32, #tpu.memory_space<vmem>> -> memref<1x512xf32, #tpu.memory_space<vmem>>
          %dma_wait3A_271 = tpu.memref_squeeze %dma_wait3A_270 : memref<1x512xf32, #tpu.memory_space<vmem>> -> memref<512xf32, #tpu.memory_space<vmem>>
          tpu.wait_dma2 semaphore(%arg17 : memref<!tpu.dma_semaphore, #tpu.memory_space<semaphore_mem>>) src(%dma_wait3A_271 : memref<512xf32, #tpu.memory_space<vmem>>) dst(%dma_wait3A_268 : memref<512xf32, #tpu.memory_space<hbm>>)
        } else {
        }
        %add3A_222 = arith.constant 1 : i32
        %add3A_223 = arith.addi %add3A_161, %add3A_222 : i32
        %mul3A_224 = arith.constant 512 : i32
        %mul3A_225 = arith.muli %add3A_223, %mul3A_224 : i32
        %dma_start3A_226 = arith.constant 0 : i32
        %dma_start3A_227 = arith.constant 0 : i32
        %dma_start3A_228 = arith.constant 0 : i32
        %dma_start3A_229 = tpu.memref_slice %arg9[%dma_start3A_226, %dma_start3A_227, %dma_start3A_228] : memref<2x512x64xf32, #tpu.memory_space<vmem>> -> memref<1x512x64xf32, #tpu.memory_space<vmem>>
        %dma_start3A_230 = tpu.memref_squeeze %dma_start3A_229 : memref<1x512x64xf32, #tpu.memory_space<vmem>> -> memref<512x64xf32, #tpu.memory_space<vmem>>
        %dma_start3A_231 = tpu.memref_slice %arg7[%mul3A_225] : memref<4096xi32, #tpu.memory_space<vmem>> -> memref<512xi32, #tpu.memory_space<vmem>>
        %dma_start3A_232 = arith.constant 0 : i32
        %dma_start3A_233 = arith.constant 0 : i32
        %dma_start3A_234 = tpu.memref_slice %arg4[%dma_start3A_232, %dma_start3A_233] : memref<100000x64xf32, #tpu.memory_space<hbm>> -> memref<100000x64xf32, #tpu.memory_space<hbm>>
        tpu.enqueue_indirect_dma source(%dma_start3A_234 : memref<100000x64xf32, #tpu.memory_space<hbm>>) target(%dma_start3A_230 : memref<512x64xf32, #tpu.memory_space<vmem>>) offsets(%dma_start3A_231 : memref<512xi32, #tpu.memory_space<vmem>>) semaphore(%arg11 : memref<!tpu.dma_semaphore, #tpu.memory_space<semaphore_mem>>)
        %dma_start3A_235 = arith.constant 0 : i32
        %dma_start3A_236 = arith.constant 0 : i32
        %dma_start3A_237 = tpu.memref_slice %arg10[%dma_start3A_235, %dma_start3A_236] : memref<2x512xf32, #tpu.memory_space<vmem>> -> memref<1x512xf32, #tpu.memory_space<vmem>>
        %dma_start3A_238 = tpu.memref_squeeze %dma_start3A_237 : memref<1x512xf32, #tpu.memory_space<vmem>> -> memref<512xf32, #tpu.memory_space<vmem>>
        %dma_start3A_239 = tpu.memref_slice %arg8[%mul3A_225] : memref<4096xi32, #tpu.memory_space<vmem>> -> memref<512xi32, #tpu.memory_space<vmem>>
        %dma_start3A_240 = arith.constant 0 : i32
        %dma_start3A_241 = tpu.memref_slice %arg3[%dma_start3A_240] : memref<6400000xf32, #tpu.memory_space<hbm>> -> memref<6400000xf32, #tpu.memory_space<hbm>>
        tpu.enqueue_indirect_dma source(%dma_start3A_241 : memref<6400000xf32, #tpu.memory_space<hbm>>) target(%dma_start3A_238 : memref<512xf32, #tpu.memory_space<vmem>>) offsets(%dma_start3A_239 : memref<512xi32, #tpu.memory_space<vmem>>) semaphore(%arg13 : memref<!tpu.dma_semaphore, #tpu.memory_space<semaphore_mem>>)
      } else {
      }
      %mul3A_169 = arith.constant 512 : i32
      %mul3A_170 = arith.muli %add3A_161, %mul3A_169 : i32
      %dma_wait3A_171 = arith.constant 1 : i32
      %dma_wait3A_172 = arith.constant 0 : i32
      %dma_wait3A_173 = arith.constant 0 : i32
      %dma_wait3A_174 = tpu.memref_slice %arg9[%dma_wait3A_171, %dma_wait3A_172, %dma_wait3A_173] : memref<2x512x64xf32, #tpu.memory_space<vmem>> -> memref<1x512x64xf32, #tpu.memory_space<vmem>>
      %dma_wait3A_175 = tpu.memref_squeeze %dma_wait3A_174 : memref<1x512x64xf32, #tpu.memory_space<vmem>> -> memref<512x64xf32, #tpu.memory_space<vmem>>
      %dma_wait3A_176 = tpu.memref_slice %arg7[%mul3A_170] : memref<4096xi32, #tpu.memory_space<vmem>> -> memref<512xi32, #tpu.memory_space<vmem>>
      %dma_wait3A_177 = arith.constant 0 : i32
      %dma_wait3A_178 = arith.constant 0 : i32
      %dma_wait3A_179 = tpu.memref_slice %arg4[%dma_wait3A_177, %dma_wait3A_178] : memref<100000x64xf32, #tpu.memory_space<hbm>> -> memref<100000x64xf32, #tpu.memory_space<hbm>>
      tpu.wait_indirect_dma semaphore(%arg12 : memref<!tpu.dma_semaphore, #tpu.memory_space<semaphore_mem>>) src(%dma_wait3A_179 : memref<100000x64xf32, #tpu.memory_space<hbm>>) dst(%dma_wait3A_175 : memref<512x64xf32, #tpu.memory_space<vmem>>)
      %dma_wait3A_180 = arith.constant 1 : i32
      %dma_wait3A_181 = arith.constant 0 : i32
      %dma_wait3A_182 = tpu.memref_slice %arg10[%dma_wait3A_180, %dma_wait3A_181] : memref<2x512xf32, #tpu.memory_space<vmem>> -> memref<1x512xf32, #tpu.memory_space<vmem>>
      %dma_wait3A_183 = tpu.memref_squeeze %dma_wait3A_182 : memref<1x512xf32, #tpu.memory_space<vmem>> -> memref<512xf32, #tpu.memory_space<vmem>>
      %dma_wait3A_184 = tpu.memref_slice %arg8[%mul3A_170] : memref<4096xi32, #tpu.memory_space<vmem>> -> memref<512xi32, #tpu.memory_space<vmem>>
      %dma_wait3A_185 = arith.constant 0 : i32
      %dma_wait3A_186 = tpu.memref_slice %arg3[%dma_wait3A_185] : memref<6400000xf32, #tpu.memory_space<hbm>> -> memref<6400000xf32, #tpu.memory_space<hbm>>
      tpu.wait_indirect_dma semaphore(%arg14 : memref<!tpu.dma_semaphore, #tpu.memory_space<semaphore_mem>>) src(%dma_wait3A_186 : memref<6400000xf32, #tpu.memory_space<hbm>>) dst(%dma_wait3A_183 : memref<512xf32, #tpu.memory_space<vmem>>)
      %mul3A_187 = arith.constant 512 : i32
      %mul3A_188 = arith.muli %add3A_161, %mul3A_187 : i32
      %add3A_189 = arith.addi %mul3A_2, %mul3A_188 : i32
      %dma_start3A_190 = arith.constant 1 : i32
      %dma_start3A_191 = arith.constant 0 : i32
      %dma_start3A_192 = arith.constant 0 : i32
      %dma_start3A_193 = tpu.memref_slice %arg9[%dma_start3A_190, %dma_start3A_191, %dma_start3A_192] : memref<2x512x64xf32, #tpu.memory_space<vmem>> -> memref<1x512x64xf32, #tpu.memory_space<vmem>>
      %dma_start3A_194 = tpu.memref_squeeze %dma_start3A_193 : memref<1x512x64xf32, #tpu.memory_space<vmem>> -> memref<512x64xf32, #tpu.memory_space<vmem>>
      %dma_start3A_195 = arith.constant 0 : i32
      %dma_start3A_196 = tpu.memref_slice %arg5[%add3A_189, %dma_start3A_195] : memref<131072x64xf32, #tpu.memory_space<hbm>> -> memref<512x64xf32, #tpu.memory_space<hbm>>
      %dma_start3A_197 = arith.constant 0 : i32
      %dma_start3A_198 = tpu.memref_slice %arg5[%add3A_189, %dma_start3A_197] : memref<131072x64xf32, #tpu.memory_space<hbm>> -> memref<512x64xf32, #tpu.memory_space<hbm>>
      %dma_start3A_199 = arith.constant 0 : i32
      %dma_start3A_200 = arith.constant 0 : i32
      %dma_start3A_201 = tpu.memref_slice %arg9[%dma_start3A_190, %dma_start3A_199, %dma_start3A_200] : memref<2x512x64xf32, #tpu.memory_space<vmem>> -> memref<1x512x64xf32, #tpu.memory_space<vmem>>
      %dma_start3A_202 = tpu.memref_squeeze %dma_start3A_201 : memref<1x512x64xf32, #tpu.memory_space<vmem>> -> memref<512x64xf32, #tpu.memory_space<vmem>>
      tpu.enqueue_dma source(%dma_start3A_202 : memref<512x64xf32, #tpu.memory_space<vmem>>) target(%dma_start3A_198 : memref<512x64xf32, #tpu.memory_space<hbm>>) target_semaphore(%arg16 : memref<!tpu.dma_semaphore, #tpu.memory_space<semaphore_mem>>)
      %mul3A_203 = arith.constant 512 : i32
      %mul3A_204 = arith.muli %add3A_161, %mul3A_203 : i32
      %add3A_205 = arith.addi %mul3A_2, %mul3A_204 : i32
      %dma_start3A_206 = arith.constant 1 : i32
      %dma_start3A_207 = arith.constant 0 : i32
      %dma_start3A_208 = tpu.memref_slice %arg10[%dma_start3A_206, %dma_start3A_207] : memref<2x512xf32, #tpu.memory_space<vmem>> -> memref<1x512xf32, #tpu.memory_space<vmem>>
      %dma_start3A_209 = tpu.memref_squeeze %dma_start3A_208 : memref<1x512xf32, #tpu.memory_space<vmem>> -> memref<512xf32, #tpu.memory_space<vmem>>
      %dma_start3A_210 = tpu.memref_slice %arg6[%add3A_205] : memref<131072xf32, #tpu.memory_space<hbm>> -> memref<512xf32, #tpu.memory_space<hbm>>
      %dma_start3A_211 = tpu.memref_slice %arg6[%add3A_205] : memref<131072xf32, #tpu.memory_space<hbm>> -> memref<512xf32, #tpu.memory_space<hbm>>
      %dma_start3A_212 = arith.constant 0 : i32
      %dma_start3A_213 = tpu.memref_slice %arg10[%dma_start3A_206, %dma_start3A_212] : memref<2x512xf32, #tpu.memory_space<vmem>> -> memref<1x512xf32, #tpu.memory_space<vmem>>
      %dma_start3A_214 = tpu.memref_squeeze %dma_start3A_213 : memref<1x512xf32, #tpu.memory_space<vmem>> -> memref<512xf32, #tpu.memory_space<vmem>>
      tpu.enqueue_dma source(%dma_start3A_214 : memref<512xf32, #tpu.memory_space<vmem>>) target(%dma_start3A_211 : memref<512xf32, #tpu.memory_space<hbm>>) target_semaphore(%arg18 : memref<!tpu.dma_semaphore, #tpu.memory_space<semaphore_mem>>)
      %scan3A_215 = arith.constant 0 : i32
      scf.yield %scan3A_215 : i32
    }
    %scan3A_50 = arith.constant 4 : i32
    %add3A_51 = arith.constant 3072 : i32
    %add3A_52 = arith.addi %mul3A_2, %add3A_51 : i32
    %dma_wait3A = arith.constant 0 : i32
    %dma_wait3A_53 = arith.constant 0 : i32
    %dma_wait3A_54 = arith.constant 0 : i32
    %dma_wait3A_55 = tpu.memref_slice %arg9[%dma_wait3A, %dma_wait3A_53, %dma_wait3A_54] : memref<2x512x64xf32, #tpu.memory_space<vmem>> -> memref<1x512x64xf32, #tpu.memory_space<vmem>>
    %dma_wait3A_56 = tpu.memref_squeeze %dma_wait3A_55 : memref<1x512x64xf32, #tpu.memory_space<vmem>> -> memref<512x64xf32, #tpu.memory_space<vmem>>
    %dma_wait3A_57 = arith.constant 0 : i32
    %dma_wait3A_58 = tpu.memref_slice %arg5[%add3A_52, %dma_wait3A_57] : memref<131072x64xf32, #tpu.memory_space<hbm>> -> memref<512x64xf32, #tpu.memory_space<hbm>>
    %dma_wait3A_59 = arith.constant 0 : i32
    %dma_wait3A_60 = tpu.memref_slice %arg5[%add3A_52, %dma_wait3A_59] : memref<131072x64xf32, #tpu.memory_space<hbm>> -> memref<512x64xf32, #tpu.memory_space<hbm>>
    %dma_wait3A_61 = arith.constant 0 : i32
    %dma_wait3A_62 = arith.constant 0 : i32
    %dma_wait3A_63 = tpu.memref_slice %arg9[%dma_wait3A, %dma_wait3A_61, %dma_wait3A_62] : memref<2x512x64xf32, #tpu.memory_space<vmem>> -> memref<1x512x64xf32, #tpu.memory_space<vmem>>
    %dma_wait3A_64 = tpu.memref_squeeze %dma_wait3A_63 : memref<1x512x64xf32, #tpu.memory_space<vmem>> -> memref<512x64xf32, #tpu.memory_space<vmem>>
    tpu.wait_dma2 semaphore(%arg15 : memref<!tpu.dma_semaphore, #tpu.memory_space<semaphore_mem>>) src(%dma_wait3A_64 : memref<512x64xf32, #tpu.memory_space<vmem>>) dst(%dma_wait3A_60 : memref<512x64xf32, #tpu.memory_space<hbm>>)
    %add3A_65 = arith.constant 3072 : i32
    %add3A_66 = arith.addi %mul3A_2, %add3A_65 : i32
    %dma_wait3A_67 = arith.constant 0 : i32
    %dma_wait3A_68 = arith.constant 0 : i32
    %dma_wait3A_69 = tpu.memref_slice %arg10[%dma_wait3A_67, %dma_wait3A_68] : memref<2x512xf32, #tpu.memory_space<vmem>> -> memref<1x512xf32, #tpu.memory_space<vmem>>
    %dma_wait3A_70 = tpu.memref_squeeze %dma_wait3A_69 : memref<1x512xf32, #tpu.memory_space<vmem>> -> memref<512xf32, #tpu.memory_space<vmem>>
    %dma_wait3A_71 = tpu.memref_slice %arg6[%add3A_66] : memref<131072xf32, #tpu.memory_space<hbm>> -> memref<512xf32, #tpu.memory_space<hbm>>
    %dma_wait3A_72 = tpu.memref_slice %arg6[%add3A_66] : memref<131072xf32, #tpu.memory_space<hbm>> -> memref<512xf32, #tpu.memory_space<hbm>>
    %dma_wait3A_73 = arith.constant 0 : i32
    %dma_wait3A_74 = tpu.memref_slice %arg10[%dma_wait3A_67, %dma_wait3A_73] : memref<2x512xf32, #tpu.memory_space<vmem>> -> memref<1x512xf32, #tpu.memory_space<vmem>>
    %dma_wait3A_75 = tpu.memref_squeeze %dma_wait3A_74 : memref<1x512xf32, #tpu.memory_space<vmem>> -> memref<512xf32, #tpu.memory_space<vmem>>
    tpu.wait_dma2 semaphore(%arg17 : memref<!tpu.dma_semaphore, #tpu.memory_space<semaphore_mem>>) src(%dma_wait3A_75 : memref<512xf32, #tpu.memory_space<vmem>>) dst(%dma_wait3A_72 : memref<512xf32, #tpu.memory_space<hbm>>)
    %add3A_76 = arith.constant 3584 : i32
    %add3A_77 = arith.addi %mul3A_2, %add3A_76 : i32
    %dma_wait3A_78 = arith.constant 1 : i32
    %dma_wait3A_79 = arith.constant 0 : i32
    %dma_wait3A_80 = arith.constant 0 : i32
    %dma_wait3A_81 = tpu.memref_slice %arg9[%dma_wait3A_78, %dma_wait3A_79, %dma_wait3A_80] : memref<2x512x64xf32, #tpu.memory_space<vmem>> -> memref<1x512x64xf32, #tpu.memory_space<vmem>>
    %dma_wait3A_82 = tpu.memref_squeeze %dma_wait3A_81 : memref<1x512x64xf32, #tpu.memory_space<vmem>> -> memref<512x64xf32, #tpu.memory_space<vmem>>
    %dma_wait3A_83 = arith.constant 0 : i32
    %dma_wait3A_84 = tpu.memref_slice %arg5[%add3A_77, %dma_wait3A_83] : memref<131072x64xf32, #tpu.memory_space<hbm>> -> memref<512x64xf32, #tpu.memory_space<hbm>>
    %dma_wait3A_85 = arith.constant 0 : i32
    %dma_wait3A_86 = tpu.memref_slice %arg5[%add3A_77, %dma_wait3A_85] : memref<131072x64xf32, #tpu.memory_space<hbm>> -> memref<512x64xf32, #tpu.memory_space<hbm>>
    %dma_wait3A_87 = arith.constant 0 : i32
    %dma_wait3A_88 = arith.constant 0 : i32
    %dma_wait3A_89 = tpu.memref_slice %arg9[%dma_wait3A_78, %dma_wait3A_87, %dma_wait3A_88] : memref<2x512x64xf32, #tpu.memory_space<vmem>> -> memref<1x512x64xf32, #tpu.memory_space<vmem>>
    %dma_wait3A_90 = tpu.memref_squeeze %dma_wait3A_89 : memref<1x512x64xf32, #tpu.memory_space<vmem>> -> memref<512x64xf32, #tpu.memory_space<vmem>>
    tpu.wait_dma2 semaphore(%arg16 : memref<!tpu.dma_semaphore, #tpu.memory_space<semaphore_mem>>) src(%dma_wait3A_90 : memref<512x64xf32, #tpu.memory_space<vmem>>) dst(%dma_wait3A_86 : memref<512x64xf32, #tpu.memory_space<hbm>>)
    %add3A_91 = arith.constant 3584 : i32
    %add3A_92 = arith.addi %mul3A_2, %add3A_91 : i32
    %dma_wait3A_93 = arith.constant 1 : i32
    %dma_wait3A_94 = arith.constant 0 : i32
    %dma_wait3A_95 = tpu.memref_slice %arg10[%dma_wait3A_93, %dma_wait3A_94] : memref<2x512xf32, #tpu.memory_space<vmem>> -> memref<1x512xf32, #tpu.memory_space<vmem>>
    %dma_wait3A_96 = tpu.memref_squeeze %dma_wait3A_95 : memref<1x512xf32, #tpu.memory_space<vmem>> -> memref<512xf32, #tpu.memory_space<vmem>>
    %dma_wait3A_97 = tpu.memref_slice %arg6[%add3A_92] : memref<131072xf32, #tpu.memory_space<hbm>> -> memref<512xf32, #tpu.memory_space<hbm>>
    %dma_wait3A_98 = tpu.memref_slice %arg6[%add3A_92] : memref<131072xf32, #tpu.memory_space<hbm>> -> memref<512xf32, #tpu.memory_space<hbm>>
    %dma_wait3A_99 = arith.constant 0 : i32
    %dma_wait3A_100 = tpu.memref_slice %arg10[%dma_wait3A_93, %dma_wait3A_99] : memref<2x512xf32, #tpu.memory_space<vmem>> -> memref<1x512xf32, #tpu.memory_space<vmem>>
    %dma_wait3A_101 = tpu.memref_squeeze %dma_wait3A_100 : memref<1x512xf32, #tpu.memory_space<vmem>> -> memref<512xf32, #tpu.memory_space<vmem>>
    tpu.wait_dma2 semaphore(%arg18 : memref<!tpu.dma_semaphore, #tpu.memory_space<semaphore_mem>>) src(%dma_wait3A_101 : memref<512xf32, #tpu.memory_space<vmem>>) dst(%dma_wait3A_98 : memref<512xf32, #tpu.memory_space<hbm>>)
    return
  }
}

module attributes {stable_mosaic.version = 14 : i64} {
  func.func @_tc_dense_body(%arg0: i32, %arg1: memref<8x100000xf32, #tpu.memory_space<vmem>>, %arg2: memref<8x256xf32, #tpu.memory_space<vmem>>, %arg3: memref<256x32xf32, #tpu.memory_space<vmem>>, %arg4: memref<1x32xf32, #tpu.memory_space<vmem>>, %arg5: memref<32x1xf32, #tpu.memory_space<vmem>>, %arg6: memref<1x1xf32, #tpu.memory_space<vmem>>, %arg7: memref<8x100000xf32, #tpu.memory_space<vmem>>, %arg8: memref<8x1xf32, #tpu.memory_space<vmem>>, %arg9: memref<8x1xf32, #tpu.memory_space<vmem>>, %arg10: memref<8x1xf32, #tpu.memory_space<vmem>>) attributes {dimension_semantics = [#tpu.dimension_semantics<arbitrary>], iteration_bounds = array<i64: 8>, scalar_prefetch = 0 : i64, scratch_operands = 0 : i64, tpu.core_type = #tpu.core_type<tc>, window_params = [{transform_indices = @transform_0, window_bounds = array<i64: 8, 100000>}, {transform_indices = @transform_1, window_bounds = array<i64: 8, 256>}, {pipeline_mode = #tpu.pipeline_mode<synchronous>, transform_indices = @transform_2, window_bounds = array<i64: 256, 32>}, {pipeline_mode = #tpu.pipeline_mode<synchronous>, transform_indices = @transform_3, window_bounds = array<i64: 1, 32>}, {pipeline_mode = #tpu.pipeline_mode<synchronous>, transform_indices = @transform_4, window_bounds = array<i64: 32, 1>}, {pipeline_mode = #tpu.pipeline_mode<synchronous>, transform_indices = @transform_5, window_bounds = array<i64: 1, 1>}, {transform_indices = @transform_6, window_bounds = array<i64: 8, 100000>}, {transform_indices = @transform_7, window_bounds = array<i64: 8, 1>}, {transform_indices = @transform_8, window_bounds = array<i64: 8, 1>}, {transform_indices = @transform_9, window_bounds = array<i64: 8, 1>}]} {
    %get3A = arith.constant 0 : index
    %get3A_0 = arith.constant 0 : index
    %get3A_1 = vector.load %arg1[%get3A, %get3A_0] : memref<8x100000xf32, #tpu.memory_space<vmem>>, vector<8x100000xf32>
    %reduce_max3A = arith.constant dense<0xFF800000> : vector<8xf32>
    %reduce_max3A_2 = vector.multi_reduction <maximumf>, %get3A_1, %reduce_max3A [1] : vector<8x100000xf32> to vector<8xf32>
    %broadcast_in_dim3A = vector.shape_cast %reduce_max3A_2 : vector<8xf32> to vector<8x1xf32>
    %sub3A = vector.broadcast %broadcast_in_dim3A : vector<8x1xf32> to vector<8x100000xf32>
    %sub3A_3 = arith.subf %get3A_1, %sub3A : vector<8x100000xf32>
    %exp3A = math.exp %sub3A_3 : vector<8x100000xf32>
    %reduce_sum3A = arith.constant dense<0.000000e+00> : vector<8xf32>
    %reduce_sum3A_4 = vector.multi_reduction <add>, %exp3A, %reduce_sum3A [1] : vector<8x100000xf32> to vector<8xf32>
    %broadcast_in_dim3A_5 = vector.shape_cast %reduce_sum3A_4 : vector<8xf32> to vector<8x1xf32>
    %get3A_6 = arith.constant 0 : index
    %get3A_7 = arith.constant 0 : index
    %get3A_8 = vector.load %arg2[%get3A_6, %get3A_7] : memref<8x256xf32, #tpu.memory_space<vmem>>, vector<8x256xf32>
    %get3A_9 = arith.constant 0 : index
    %get3A_10 = arith.constant 0 : index
    %get3A_11 = vector.load %arg3[%get3A_9, %get3A_10] : memref<256x32xf32, #tpu.memory_space<vmem>>, vector<256x32xf32>
    %dot_general3A = arith.constant dense<0.000000e+00> : vector<8x32xf32>
    %dot_general3A_12 = tpu.matmul %get3A_8, %get3A_11, %dot_general3A {dimension_numbers = #tpu.dot_dimension_numbers<[1], [0], [0], [1], [0, 0, 1, 1], [], []>, transpose_lhs_hint = false} : vector<8x256xf32>, vector<256x32xf32>, vector<8x32xf32> -> vector<8x32xf32>
    %get3A_13 = arith.constant 0 : index
    %get3A_14 = arith.constant 0 : index
    %get3A_15 = vector.load %arg4[%get3A_13, %get3A_14] : memref<1x32xf32, #tpu.memory_space<vmem>>, vector<1x32xf32>
    %add3A = vector.broadcast %get3A_15 : vector<1x32xf32> to vector<8x32xf32>
    %add3A_16 = arith.addf %dot_general3A_12, %add3A : vector<8x32xf32>
    %max3A = arith.constant 0.000000e+00 : f32
    %max3A_17 = vector.broadcast %max3A : f32 to vector<8x32xf32>
    %max3A_18 = arith.maximumf %add3A_16, %max3A_17 : vector<8x32xf32>
    %get3A_19 = arith.constant 0 : index
    %get3A_20 = arith.constant 0 : index
    %get3A_21 = vector.load %arg5[%get3A_19, %get3A_20] : memref<32x1xf32, #tpu.memory_space<vmem>>, vector<32x1xf32>
    %dot_general3A_22 = arith.constant dense<0.000000e+00> : vector<8x1xf32>
    %dot_general3A_23 = tpu.matmul %max3A_18, %get3A_21, %dot_general3A_22 {dimension_numbers = #tpu.dot_dimension_numbers<[1], [0], [0], [1], [0, 0, 1, 1], [], []>, transpose_lhs_hint = false} : vector<8x32xf32>, vector<32x1xf32>, vector<8x1xf32> -> vector<8x1xf32>
    %get3A_24 = arith.constant 0 : index
    %get3A_25 = arith.constant 0 : index
    %get3A_26 = vector.load %arg6[%get3A_24, %get3A_25] : memref<1x1xf32, #tpu.memory_space<vmem>>, vector<1x1xf32>
    %add3A_27 = vector.broadcast %get3A_26 : vector<1x1xf32> to vector<8x1xf32>
    %add3A_28 = arith.addf %dot_general3A_23, %add3A_27 : vector<8x1xf32>
    %logistic3A = arith.negf %add3A_28 : vector<8x1xf32>
    %logistic3A_29 = math.exp %logistic3A : vector<8x1xf32>
    %logistic3A_30 = arith.constant 1.000000e+00 : f32
    %logistic3A_31 = vector.broadcast %logistic3A_30 : f32 to vector<8x1xf32>
    %logistic3A_32 = arith.addf %logistic3A_31, %logistic3A_29 : vector<8x1xf32>
    %logistic3A_33 = arith.divf %logistic3A_31, %logistic3A_32 : vector<8x1xf32>
    %sub3A_34 = arith.constant 1.000000e+00 : f32
    %sub3A_35 = vector.broadcast %sub3A_34 : f32 to vector<8x1xf32>
    %sub3A_36 = arith.subf %sub3A_35, %logistic3A_33 : vector<8x1xf32>
    %mul3A = vector.broadcast %sub3A_36 : vector<8x1xf32> to vector<8x100000xf32>
    %mul3A_37 = arith.mulf %mul3A, %exp3A : vector<8x100000xf32>
    %div3A = vector.broadcast %broadcast_in_dim3A_5 : vector<8x1xf32> to vector<8x100000xf32>
    %div3A_38 = arith.divf %mul3A_37, %div3A : vector<8x100000xf32>
    %add3A_39 = arith.constant 9.99999993E-9 : f32
    %add3A_40 = vector.broadcast %add3A_39 : f32 to vector<8x100000xf32>
    %add3A_41 = arith.addf %div3A_38, %add3A_40 : vector<8x100000xf32>
    %log3A = math.log %add3A_41 : vector<8x100000xf32>
    %swap3A = arith.constant 0 : index
    %swap3A_42 = arith.constant 0 : index
    %swap3A_43 = vector.load %arg7[%swap3A, %swap3A_42] : memref<8x100000xf32, #tpu.memory_space<vmem>>, vector<8x100000xf32>
    tpu.vector_store %arg7[%swap3A, %swap3A_42], %log3A {strides = array<i32>} : memref<8x100000xf32, #tpu.memory_space<vmem>>, vector<8x100000xf32>,
    %swap3A_44 = arith.constant 0 : index
    %swap3A_45 = arith.constant 0 : index
    %swap3A_46 = vector.load %arg8[%swap3A_44, %swap3A_45] : memref<8x1xf32, #tpu.memory_space<vmem>>, vector<8x1xf32>
    tpu.vector_store %arg8[%swap3A_44, %swap3A_45], %broadcast_in_dim3A {strides = array<i32>} : memref<8x1xf32, #tpu.memory_space<vmem>>, vector<8x1xf32>,
    %swap3A_47 = arith.constant 0 : index
    %swap3A_48 = arith.constant 0 : index
    %swap3A_49 = vector.load %arg9[%swap3A_47, %swap3A_48] : memref<8x1xf32, #tpu.memory_space<vmem>>, vector<8x1xf32>
    tpu.vector_store %arg9[%swap3A_47, %swap3A_48], %broadcast_in_dim3A_5 {strides = array<i32>} : memref<8x1xf32, #tpu.memory_space<vmem>>, vector<8x1xf32>,
    %swap3A_50 = arith.constant 0 : index
    %swap3A_51 = arith.constant 0 : index
    %swap3A_52 = vector.load %arg10[%swap3A_50, %swap3A_51] : memref<8x1xf32, #tpu.memory_space<vmem>>, vector<8x1xf32>
    tpu.vector_store %arg10[%swap3A_50, %swap3A_51], %logistic3A_33 {strides = array<i32>} : memref<8x1xf32, #tpu.memory_space<vmem>>, vector<8x1xf32>,
    return
  }
  func.func @transform_0(%arg0: i32) -> (i32, i32) {
    %c0_i32 = arith.constant 0 : i32
    %c0_i32_0 = arith.constant 0 : i32
    return %arg0, %c0_i32 : i32, i32
  }
  func.func @transform_1(%arg0: i32) -> (i32, i32) {
    %c0_i32 = arith.constant 0 : i32
    %c0_i32_0 = arith.constant 0 : i32
    return %arg0, %c0_i32 : i32, i32
  }
  func.func @transform_2(%arg0: i32) -> (i32, i32) {
    %c0_i32 = arith.constant 0 : i32
    %c0_i32_0 = arith.constant 0 : i32
    %c0_i32_1 = arith.constant 0 : i32
    return %c0_i32, %c0_i32_0 : i32, i32
  }
  func.func @transform_3(%arg0: i32) -> (i32, i32) {
    %c0_i32 = arith.constant 0 : i32
    %c0_i32_0 = arith.constant 0 : i32
    %c0_i32_1 = arith.constant 0 : i32
    return %c0_i32, %c0_i32_0 : i32, i32
  }
  func.func @transform_4(%arg0: i32) -> (i32, i32) {
    %c0_i32 = arith.constant 0 : i32
    %c0_i32_0 = arith.constant 0 : i32
    %c0_i32_1 = arith.constant 0 : i32
    return %c0_i32, %c0_i32_0 : i32, i32
  }
  func.func @transform_5(%arg0: i32) -> (i32, i32) {
    %c0_i32 = arith.constant 0 : i32
    %c0_i32_0 = arith.constant 0 : i32
    %c0_i32_1 = arith.constant 0 : i32
    return %c0_i32, %c0_i32_0 : i32, i32
  }
  func.func @transform_6(%arg0: i32) -> (i32, i32) {
    %c0_i32 = arith.constant 0 : i32
    %c0_i32_0 = arith.constant 0 : i32
    return %arg0, %c0_i32 : i32, i32
  }
  func.func @transform_7(%arg0: i32) -> (i32, i32) {
    %c0_i32 = arith.constant 0 : i32
    %c0_i32_0 = arith.constant 0 : i32
    return %arg0, %c0_i32 : i32, i32
  }
  func.func @transform_8(%arg0: i32) -> (i32, i32) {
    %c0_i32 = arith.constant 0 : i32
    %c0_i32_0 = arith.constant 0 : i32
    return %arg0, %c0_i32 : i32, i32
  }
  func.func @transform_9(%arg0: i32) -> (i32, i32) {
    %c0_i32 = arith.constant 0 : i32
    %c0_i32_0 = arith.constant 0 : i32
    return %arg0, %c0_i32 : i32, i32
  }
}

module attributes {stable_mosaic.version = 14 : i64} {
  func.func @_tc_mlp_body(%arg0: i32, %arg1: memref<8x256xf32, #tpu.memory_space<vmem>>, %arg2: memref<16384x64xf32, #tpu.memory_space<vmem>>, %arg3: memref<8x2048xf32, #tpu.memory_space<vmem>>, %arg4: memref<8x1xf32, #tpu.memory_space<vmem>>, %arg5: memref<8x1xf32, #tpu.memory_space<vmem>>, %arg6: memref<8x1xf32, #tpu.memory_space<vmem>>, %arg7: memref<320x32xf32, #tpu.memory_space<vmem>>, %arg8: memref<1x32xf32, #tpu.memory_space<vmem>>, %arg9: memref<1x32xf32, #tpu.memory_space<vmem>>, %arg10: memref<1x1xf32, #tpu.memory_space<vmem>>, %arg11: memref<8x2048xf32, #tpu.memory_space<vmem>>) attributes {dimension_semantics = [#tpu.dimension_semantics<arbitrary>], iteration_bounds = array<i64: 8>, scalar_prefetch = 0 : i64, scratch_operands = 0 : i64, tpu.core_type = #tpu.core_type<tc>, window_params = [{transform_indices = @transform_0, window_bounds = array<i64: 8, 256>}, {transform_indices = @transform_1, window_bounds = array<i64: 16384, 64>}, {transform_indices = @transform_2, window_bounds = array<i64: 8, 2048>}, {transform_indices = @transform_3, window_bounds = array<i64: 8, 1>}, {transform_indices = @transform_4, window_bounds = array<i64: 8, 1>}, {transform_indices = @transform_5, window_bounds = array<i64: 8, 1>}, {pipeline_mode = #tpu.pipeline_mode<synchronous>, transform_indices = @transform_6, window_bounds = array<i64: 320, 32>}, {pipeline_mode = #tpu.pipeline_mode<synchronous>, transform_indices = @transform_7, window_bounds = array<i64: 1, 32>}, {pipeline_mode = #tpu.pipeline_mode<synchronous>, transform_indices = @transform_8, window_bounds = array<i64: 1, 32>}, {pipeline_mode = #tpu.pipeline_mode<synchronous>, transform_indices = @transform_9, window_bounds = array<i64: 1, 1>}, {transform_indices = @transform_10, window_bounds = array<i64: 8, 2048>}]} {
    %get3A = arith.constant 0 : index
    %get3A_0 = arith.constant 0 : index
    %get3A_1 = vector.load %arg1[%get3A, %get3A_0] : memref<8x256xf32, #tpu.memory_space<vmem>>, vector<8x256xf32>
    %get3A_2 = arith.constant 0 : index
    %get3A_3 = arith.constant 0 : index
    %get3A_4 = vector.load %arg4[%get3A_2, %get3A_3] : memref<8x1xf32, #tpu.memory_space<vmem>>, vector<8x1xf32>
    %get3A_5 = arith.constant 0 : index
    %get3A_6 = arith.constant 0 : index
    %get3A_7 = vector.load %arg5[%get3A_5, %get3A_6] : memref<8x1xf32, #tpu.memory_space<vmem>>, vector<8x1xf32>
    %get3A_8 = arith.constant 0 : index
    %get3A_9 = arith.constant 0 : index
    %get3A_10 = vector.load %arg6[%get3A_8, %get3A_9] : memref<8x1xf32, #tpu.memory_space<vmem>>, vector<8x1xf32>
    %get3A_11 = arith.constant 0 : index
    %get3A_12 = arith.constant 0 : index
    %get3A_13 = vector.load %arg7[%get3A_11, %get3A_12] : memref<320x32xf32, #tpu.memory_space<vmem>>, vector<320x32xf32>
    %get3A_14 = arith.constant 0 : index
    %get3A_15 = arith.constant 0 : index
    %get3A_16 = vector.load %arg2[%get3A_14, %get3A_15] : memref<16384x64xf32, #tpu.memory_space<vmem>>, vector<16384x64xf32>
    %slice3A = vector.extract_strided_slice %get3A_13 {offsets = [0, 0], sizes = [256, 32], strides = [1, 1]} : vector<320x32xf32> to vector<256x32xf32>
    %dot_general3A = arith.constant dense<0.000000e+00> : vector<8x32xf32>
    %dot_general3A_17 = tpu.matmul %get3A_1, %slice3A, %dot_general3A {dimension_numbers = #tpu.dot_dimension_numbers<[1], [0], [0], [1], [0, 0, 1, 1], [], []>, transpose_lhs_hint = false} : vector<8x256xf32>, vector<256x32xf32>, vector<8x32xf32> -> vector<8x32xf32>
    %slice3A_18 = vector.extract_strided_slice %get3A_13 {offsets = [256, 0], sizes = [64, 32], strides = [1, 1]} : vector<320x32xf32> to vector<64x32xf32>
    %dot_general3A_19 = arith.constant dense<0.000000e+00> : vector<16384x32xf32>
    %dot_general3A_20 = tpu.matmul %get3A_16, %slice3A_18, %dot_general3A_19 {dimension_numbers = #tpu.dot_dimension_numbers<[1], [0], [0], [1], [0, 0, 1, 1], [], []>, transpose_lhs_hint = false} : vector<16384x64xf32>, vector<64x32xf32>, vector<16384x32xf32> -> vector<16384x32xf32>
    %get3A_21 = arith.constant 0 : index
    %get3A_22 = arith.constant 0 : index
    %get3A_23 = vector.load %arg8[%get3A_21, %get3A_22] : memref<1x32xf32, #tpu.memory_space<vmem>>, vector<1x32xf32>
    %add3A = vector.broadcast %get3A_23 : vector<1x32xf32> to vector<16384x32xf32>
    %add3A_24 = arith.addf %dot_general3A_20, %add3A : vector<16384x32xf32>
    %reshape3A = vector.shape_cast %add3A_24 : vector<16384x32xf32> to vector<8x2048x32xf32>
    %broadcast_in_dim3A = vector.shape_cast %dot_general3A_17 : vector<8x32xf32> to vector<8x1x32xf32>
    %add3A_25 = vector.broadcast %broadcast_in_dim3A : vector<8x1x32xf32> to vector<8x2048x32xf32>
    %add3A_26 = arith.addf %reshape3A, %add3A_25 : vector<8x2048x32xf32>
    %max3A = arith.constant 0.000000e+00 : f32
    %max3A_27 = vector.broadcast %max3A : f32 to vector<8x2048x32xf32>
    %max3A_28 = arith.maximumf %add3A_26, %max3A_27 : vector<8x2048x32xf32>
    %get3A_29 = arith.constant 0 : index
    %get3A_30 = arith.constant 0 : index
    %get3A_31 = vector.load %arg9[%get3A_29, %get3A_30] : memref<1x32xf32, #tpu.memory_space<vmem>>, vector<1x32xf32>
    %broadcast_in_dim3A_32 = vector.shape_cast %get3A_31 : vector<1x32xf32> to vector<1x1x32xf32>
    %mul3A = vector.broadcast %broadcast_in_dim3A_32 : vector<1x1x32xf32> to vector<8x2048x32xf32>
    %mul3A_33 = arith.mulf %max3A_28, %mul3A : vector<8x2048x32xf32>
    %reduce_sum3A = arith.constant dense<0.000000e+00> : vector<8x2048xf32>
    %reduce_sum3A_34 = vector.multi_reduction <add>, %mul3A_33, %reduce_sum3A [2] : vector<8x2048x32xf32> to vector<8x2048xf32>
    %get3A_35 = arith.constant 0 : index
    %get3A_36 = arith.constant 0 : index
    %get3A_37 = vector.load %arg10[%get3A_35, %get3A_36] : memref<1x1xf32, #tpu.memory_space<vmem>>, vector<1x1xf32>
    %add3A_38 = vector.broadcast %get3A_37 : vector<1x1xf32> to vector<8x2048xf32>
    %add3A_39 = arith.addf %reduce_sum3A_34, %add3A_38 : vector<8x2048xf32>
    %reduce_max3A = arith.constant dense<0xFF800000> : vector<8xf32>
    %reduce_max3A_40 = vector.multi_reduction <maximumf>, %add3A_39, %reduce_max3A [1] : vector<8x2048xf32> to vector<8xf32>
    %broadcast_in_dim3A_41 = vector.shape_cast %reduce_max3A_40 : vector<8xf32> to vector<8x1xf32>
    %sub3A = vector.broadcast %broadcast_in_dim3A_41 : vector<8x1xf32> to vector<8x2048xf32>
    %sub3A_42 = arith.subf %add3A_39, %sub3A : vector<8x2048xf32>
    %exp3A = math.exp %sub3A_42 : vector<8x2048xf32>
    %reduce_sum3A_43 = arith.constant dense<0.000000e+00> : vector<8xf32>
    %reduce_sum3A_44 = vector.multi_reduction <add>, %exp3A, %reduce_sum3A_43 [1] : vector<8x2048xf32> to vector<8xf32>
    %broadcast_in_dim3A_45 = vector.shape_cast %reduce_sum3A_44 : vector<8xf32> to vector<8x1xf32>
    %div3A = vector.broadcast %broadcast_in_dim3A_45 : vector<8x1xf32> to vector<8x2048xf32>
    %div3A_46 = arith.divf %exp3A, %div3A : vector<8x2048xf32>
    %sub3A_47 = arith.constant 1.000000e+00 : f32
    %sub3A_48 = vector.broadcast %sub3A_47 : f32 to vector<8x1xf32>
    %sub3A_49 = arith.subf %sub3A_48, %get3A_10 : vector<8x1xf32>
    %get3A_50 = arith.constant 0 : index
    %get3A_51 = arith.constant 0 : index
    %get3A_52 = vector.load %arg3[%get3A_50, %get3A_51] : memref<8x2048xf32, #tpu.memory_space<vmem>>, vector<8x2048xf32>
    %sub3A_53 = vector.broadcast %get3A_4 : vector<8x1xf32> to vector<8x2048xf32>
    %sub3A_54 = arith.subf %get3A_52, %sub3A_53 : vector<8x2048xf32>
    %exp3A_55 = math.exp %sub3A_54 : vector<8x2048xf32>
    %mul3A_56 = vector.broadcast %sub3A_49 : vector<8x1xf32> to vector<8x2048xf32>
    %mul3A_57 = arith.mulf %mul3A_56, %exp3A_55 : vector<8x2048xf32>
    %div3A_58 = vector.broadcast %get3A_7 : vector<8x1xf32> to vector<8x2048xf32>
    %div3A_59 = arith.divf %mul3A_57, %div3A_58 : vector<8x2048xf32>
    %mul3A_60 = vector.broadcast %get3A_10 : vector<8x1xf32> to vector<8x2048xf32>
    %mul3A_61 = arith.mulf %mul3A_60, %div3A_46 : vector<8x2048xf32>
    %add3A_62 = arith.addf %div3A_59, %mul3A_61 : vector<8x2048xf32>
    %add3A_63 = arith.constant 9.99999993E-9 : f32
    %add3A_64 = vector.broadcast %add3A_63 : f32 to vector<8x2048xf32>
    %add3A_65 = arith.addf %add3A_62, %add3A_64 : vector<8x2048xf32>
    %log3A = math.log %add3A_65 : vector<8x2048xf32>
    %swap3A = arith.constant 0 : index
    %swap3A_66 = arith.constant 0 : index
    %swap3A_67 = vector.load %arg11[%swap3A, %swap3A_66] : memref<8x2048xf32, #tpu.memory_space<vmem>>, vector<8x2048xf32>
    tpu.vector_store %arg11[%swap3A, %swap3A_66], %log3A {strides = array<i32>} : memref<8x2048xf32, #tpu.memory_space<vmem>>, vector<8x2048xf32>,
    return
  }
  func.func @transform_0(%arg0: i32) -> (i32, i32) {
    %c0_i32 = arith.constant 0 : i32
    %c0_i32_0 = arith.constant 0 : i32
    return %arg0, %c0_i32 : i32, i32
  }
  func.func @transform_1(%arg0: i32) -> (i32, i32) {
    %c0_i32 = arith.constant 0 : i32
    %c0_i32_0 = arith.constant 0 : i32
    return %arg0, %c0_i32 : i32, i32
  }
  func.func @transform_2(%arg0: i32) -> (i32, i32) {
    %c0_i32 = arith.constant 0 : i32
    %c0_i32_0 = arith.constant 0 : i32
    return %arg0, %c0_i32 : i32, i32
  }
  func.func @transform_3(%arg0: i32) -> (i32, i32) {
    %c0_i32 = arith.constant 0 : i32
    %c0_i32_0 = arith.constant 0 : i32
    return %arg0, %c0_i32 : i32, i32
  }
  func.func @transform_4(%arg0: i32) -> (i32, i32) {
    %c0_i32 = arith.constant 0 : i32
    %c0_i32_0 = arith.constant 0 : i32
    return %arg0, %c0_i32 : i32, i32
  }
  func.func @transform_5(%arg0: i32) -> (i32, i32) {
    %c0_i32 = arith.constant 0 : i32
    %c0_i32_0 = arith.constant 0 : i32
    return %arg0, %c0_i32 : i32, i32
  }
  func.func @transform_6(%arg0: i32) -> (i32, i32) {
    %c0_i32 = arith.constant 0 : i32
    %c0_i32_0 = arith.constant 0 : i32
    %c0_i32_1 = arith.constant 0 : i32
    return %c0_i32, %c0_i32_0 : i32, i32
  }
  func.func @transform_7(%arg0: i32) -> (i32, i32) {
    %c0_i32 = arith.constant 0 : i32
    %c0_i32_0 = arith.constant 0 : i32
    %c0_i32_1 = arith.constant 0 : i32
    return %c0_i32, %c0_i32_0 : i32, i32
  }
  func.func @transform_8(%arg0: i32) -> (i32, i32) {
    %c0_i32 = arith.constant 0 : i32
    %c0_i32_0 = arith.constant 0 : i32
    %c0_i32_1 = arith.constant 0 : i32
    return %c0_i32, %c0_i32_0 : i32, i32
  }
  func.func @transform_9(%arg0: i32) -> (i32, i32) {
    %c0_i32 = arith.constant 0 : i32
    %c0_i32_0 = arith.constant 0 : i32
    %c0_i32_1 = arith.constant 0 : i32
    return %c0_i32, %c0_i32_0 : i32, i32
  }
  func.func @transform_10(%arg0: i32) -> (i32, i32) {
    %c0_i32 = arith.constant 0 : i32
    %c0_i32_0 = arith.constant 0 : i32
    return %arg0, %c0_i32 : i32, i32
  }
}

</mosaic_0001>

<sc_bundles>
// kernel: kernel.6.cloned.1.call-start
scs
__scs_entry_jumppad:
0x0: {  	(pc) =	sbr.rel $0x88, $3  }
0x1: {  	(tag) =	ssettag $0x0;
	lr =	simm.s32 $0x1  }
0x2: {  	[smem:$0x3F95] =	sst lr;
	_ =	strace $0xD0000000  }
0x3: {  	_ = 	snop  }
0x4: {  	_ = 	snop  }
0x5: {  	_ = 	snop  }
0x6: {  	_ = 	snop  }
0x7: {  	_ = 	snop  }
__scs_overlays_trampoline_lowered:
0x8: {  	[smem:$0x3FA4] =	sst s0  }
0x9: {  	[smem:$0x3FA5] =	sst s1  }
0xa: {  	[smem:$0x3FA6] =	sst s2  }
0xb: {  	[smem:$0x3FA7] =	sst s3  }
0xc: {  	[smem:$0x3FA8] =	sst s4  }
0xd: {  	[smem:$0x3FA9] =	sst s5  }
0xe: {  	[smem:$0x3FAA] =	sst s6  }
0xf: {  	[smem:$0x3FAB] =	sst s7  }
0x10: {  	[smem:$0x3FAC] =	sst s8  }
0x11: {  	[smem:$0x3FAD] =	sst s9;
	s0 =	simm.s32 @!p0 $0x0  }
0x12: {  	s1 =	sld [smem:$0x3F93];
	s0 =	simm.s32 @p0 $0x1  }
0x13: {  	[smem:$0x3FAE] =	sst s0;
	s0 =	simm.s32 @!p1 $0x0  }
0x14: {  	s2 =	sld [smem:$0x3F92];
	s0 =	simm.s32 @p1 $0x1  }
0x15: {  	[smem:$0x3FAF] =	sst s0;
	s0 =	simm.s32 @!p2 $0x0  }
0x16: {  	s3 =	sld [smem:$0x3FDB];
	s0 =	simm.s32 @p2 $0x1  }
0x17: {  	s4 =	simm.s32 $0x1BF5;
	[smem:$0x3FB1] =	sst s0  }
0x18: {  	s0 =	sld [smem:$0x3F94];
	_ =	swait.ge [sflag:s4], $0x0  }
0x19: {  	s7 =	sld [smem:$0x3F95]  }
0x1a: {  	s8 =	sadd.s32 $0xFFFFE003, lr  }
0x1b: {  	s9 =	sadd.s32 $0xFFFFFEF7, lr;
	s5 =	simm.s32 $0xFFFFFFFF;
	p2 =	slt.u32 s8, $0xFFFFF086  }
0x1c: {  	p1 =	slt.u32 s9, $0xF7A;
	s5 =	simm.s32 @!p2 $0x0  }
0x1d: {  	s5 =	simm.s32 @p1 $0x1;
	p0 =	seq.s32 s7, s2  }
0x1e: {  	s7 =	smul.u32 @!p0 $0xF7A, s2;
	p2 =	seq.s32 @!p0 s5, $0x0  }
0x1f: {  	s9 =	smul.u32 $0xF7A, s1;
	s8 =	simm.s32 @!p0 $0x1BF5;
	p2 =	por !p2, p0  }
0x20: {  	[sflag:s8] =	ssyncset.s32 @!p0 $0xFFFFF086;
	s6 =	sadd.s32 @!p0 s3, s7;
	s7 =	simm.s32 @!p0 $0x108  }
0x21: {  	s3 =	sadd.s32 s3, s9;
	s6 =	sadd.s32 @!p0 $0x88, s6;
	s7 =	simm.s32 @p2 $0x1082  }
0x22: {  	[simem:s7], [sflag:s8] =	dma.local @!p0 [hbm:s6], $0xF7A  }
0x23: {  	s9 =	sor.u32 $0xD0000000, s2;
	s6 =	simm.s32 $0x108;
	_ =	swait.ge @!p0 [sflag:s8], $0x0  }
0x24: {  	s3 =	sadd.s32 $0x88, s3;
	s6 =	simm.s32 @!p1 $0x1082;
	[sflag:s4] =	ssyncset.s32 $0xFFFFF086  }
0x25: {  	[simem:s6], [sflag:s4] =	dma.local [hbm:s3], $0xF7A  }
0x26: {  	[smem:$0x3F95] =	sst s1;
	(tag) =	ssettag s2;
	_ =	strace s9  }
0x27: {  	s1 =	sld [smem:$0x3FA5]  }
0x28: {  	s2 =	sld [smem:$0x3FA6]  }
0x29: {  	s4 =	sld [smem:$0x3FA8]  }
0x2a: {  	p0 =	seq.s32 s5, $0x0;
	s5 =	sld [smem:$0x3FA9]  }
0x2b: {  	s6 =	sld [smem:$0x3FAA]  }
0x2c: {  	s7 =	sld [smem:$0x3FAB]  }
0x2d: {  	s3 =	simm.s32 $0x108;
	s8 =	sld [smem:$0x3FAC]  }
0x2e: {  	s3 =	simm.s32 @!p0 $0x1082;
	s9 =	sld [smem:$0x3FAD]  }
0x2f: {  	lr =	sadd.s32 s0, s3;
	s0 =	sld [smem:$0x3FA4]  }
0x30: {  	s3 =	sld [smem:$0x3FA7]  }
0x31: {  	[smem:$0x3FB0] =	sst s10  }
0x32: {  	s10 =	sld [smem:$0x3FAE];
	_ =	sdelay $0x3  }
0x33: {  	p0 =	seq.s32 s10, $0x1;
	s10 =	sld [smem:$0x3FB0];
	_ =	sdelay $0x3  }
0x34: {  	[smem:$0x3FB0] =	sst s10  }
0x35: {  	s10 =	sld [smem:$0x3FAF];
	_ =	sdelay $0x3  }
0x36: {  	p1 =	seq.s32 s10, $0x1;
	s10 =	sld [smem:$0x3FB0];
	_ =	sdelay $0x3  }
0x37: {  	[smem:$0x3FB0] =	sst s10  }
0x38: {  	s10 =	sld [smem:$0x3FB1]  }
0x39: {  	_ = 	snop;
	(pc) =	sbr.ind lr, $3  }
0x3a: {  	_ = 	snop  }
0x3b: {  	_ = 	snop  }
0x3c: {  	p2 =	seq.s32 s10, $0x1;
	s10 =	sld [smem:$0x3FB0]  }
0x3d: {  	_ =	shalt  }
0x3e: {  	_ =	shalt  }
0x3f: {  	_ =	shalt  }
0x40: {  	_ =	shalt  }
0x41: {  	_ =	shalt  }
0x42: {  	_ =	shalt  }
0x43: {  	_ =	shalt  }
0x44: {  	_ =	shalt  }
0x45: {  	_ =	shalt  }
0x46: {  	_ =	shalt  }
0x47: {  	_ =	shalt  }
0x48: {  	_ =	shalt  }
0x49: {  	_ =	shalt  }
0x4a: {  	_ =	shalt  }
0x4b: {  	_ =	shalt  }
0x4c: {  	_ =	shalt  }
0x4d: {  	_ =	shalt  }
0x4e: {  	_ =	shalt  }
0x4f: {  	_ =	shalt  }
0x50: {  	_ =	shalt  }
0x51: {  	_ =	shalt  }
0x52: {  	_ =	shalt  }
0x53: {  	_ =	shalt  }
0x54: {  	_ =	shalt  }
0x55: {  	_ =	shalt  }
0x56: {  	_ =	shalt  }
0x57: {  	_ =	shalt  }
0x58: {  	_ =	shalt  }
0x59: {  	_ =	shalt  }
0x5a: {  	_ =	shalt  }
0x5b: {  	_ =	shalt  }
0x5c: {  	_ =	shalt  }
0x5d: {  	_ =	shalt  }
0x5e: {  	_ =	shalt  }
0x5f: {  	_ =	shalt  }
0x60: {  	_ =	shalt  }
0x61: {  	_ =	shalt  }
0x62: {  	_ =	shalt  }
0x63: {  	_ =	shalt  }
0x64: {  	_ =	shalt  }
0x65: {  	_ =	shalt  }
0x66: {  	_ =	shalt  }
0x67: {  	_ =	shalt  }
0x68: {  	_ =	shalt  }
0x69: {  	_ =	shalt  }
0x6a: {  	_ =	shalt  }
0x6b: {  	_ =	shalt  }
0x6c: {  	_ =	shalt  }
0x6d: {  	_ =	shalt  }
0x6e: {  	_ =	shalt  }
0x6f: {  	_ =	shalt  }
0x70: {  	_ =	shalt  }
0x71: {  	_ =	shalt  }
0x72: {  	_ =	shalt  }
0x73: {  	_ =	shalt  }
0x74: {  	_ =	shalt  }
0x75: {  	_ =	shalt  }
0x76: {  	_ =	shalt  }
0x77: {  	_ =	shalt  }
0x78: {  	_ =	shalt  }
0x79: {  	_ =	shalt  }
0x7a: {  	_ =	shalt  }
0x7b: {  	_ =	shalt  }
0x7c: {  	_ =	shalt  }
0x7d: {  	_ =	shalt  }
0x7e: {  	_ =	shalt  }
0x7f: {  	_ =	shalt  }
0x80: {  	_ =	shalt  }
0x81: {  	_ =	shalt  }
0x82: {  	_ =	shalt  }
0x83: {  	_ =	shalt  }
0x84: {  	_ =	shalt  }
0x85: {  	_ =	shalt  }
0x86: {  	_ =	shalt  }
0x87: {  	_ =	shalt  }
.Lfunc_end0:
.L_simem_size_0:
called_computation_lowered:
.L_overlay_start_0:
0x88: {  	s2 =	sld [smem:$0x3FD9]  }
0x89: {  	s3 =	sld [smem:$0x3FFE];
	_ =	sdelay $0x1  }
0x8a: {  	s1 =	srdreg.scid  }
0x8b: {  	s0 =	sand.u32 $0x1, s1  }
0x8c: {  	s16 =	sshll.u32 s0, $0xA;
	s2 =	sadd.s32 s3, s2  }
0x8d: {  	s2 =	sadd.s32 s2, s16  }
0x8e: {  	[smem:$0x3FBC] =	sst s2  }
0x8f: {  	_ = 	snop  }
0x90: {  	(tm) =	ssettm $0x1  }
0x91: {  	s17 =	sld [smem:$0x3FFB];
	_ =	sdelay $0x3  }
0x92: {  	_ =	strace s17  }
0x93: {  	s2 =	sld [smem:$0x3FFC];
	_ =	sdelay $0x3  }
0x94: {  	_ =	strace s2  }
0x95: {  	s2 =	sld [smem:$0x3FFD];
	_ =	sdelay $0x3  }
0x96: {  	_ =	strace s2  }
0x97: {  	_ =	strace $0x8FFFFFFF  }
0x98: {  	s18 =	sld [smem:$0x3FDB];
	_ =	sdelay $0x1  }
0x99: {  	s19 =	simm.s32 $_scs_section_size  }
0x9a: {  	s4 =	simm.s32 $_size__tile_overlayer_lowered;
	s5 =	simm.s32 $_tile_overlayer_lowered  }
0x9b: {  	s22 =	simm.s32 $0x1BFF;
	s21 =	sshll.u32 s5, $0x1;
	s2 =	sadd.s32 s19, s18  }
0x9c: {  	s6 =	simm.s32 $0x0;
	s20 =	sshll.u32 s4, $0x1;
	s4 =	sadd.s32 s21, s2  }
0x9d: {  	[timem:s6], [sflag:s22] =	dma.local [hbm:s4], s20  }
0x9e: {  	_ =	swait.ge [sflag:s22], s20  }
0x9f: {  	s3 =	ssub.s32 $0x0, s20;
	[sflag:s22] =	ssyncset.done $0x0  }
0xa0: {  	[sflag:s22] =	ssyncadd.s32 s3;
	_ =	sdelay $0x1  }
0xa1: {  	s23 =	simm.s32 $0x1B8B  }
0xa2: {  	_ =	swait.ge [sflag:s23], $0x1  }
0xa3: {  	[sflag:s23] =	ssyncset.done $0x0  }
0xa4: {  	s25 =	simm.s32 $0x1B8E;
	s24 =	sld [smem:$0x3FFE];
	[sflag:s23] =	ssyncadd.s32 $0xFFFFFFFF  }
0xa5: {  	s26 =	simm.s32 $execute0_lowered;
	[smem:$0x3FD2] =	sst s25  }
0xa6: {  	s4 =	sshll.u32 s26, $0x1;
	_ =	strace $0x80000046;
	[dreg:$0x1] =	wrdreg $0xFFFFFFFF  }
0xa7: {  	s28 =	simm.s32 $_size_execute0_lowered;
	s2 =	sadd.s32 s2, s4;
	[dreg:$0x0] =	wrdreg $0x0  }
0xa8: {  	s4 =	sshll.u32 s28, $0x1;
	[dreg:$0x2] =	wrdreg s2  }
0xa9: {  	[dreg:$0x3] =	wrdreg s4  }
0xaa: {  	[dreg:$0x4] =	wrdreg $0xC0  }
0xab: {  	_ =	task [dreg:s6], $0x5FFFF  }
0xac: {  	[dreg:$0x1] =	wrdreg $0xFFFFFFFF  }
0xad: {  	[dreg:$0x0] =	wrdreg $0x60  }
0xae: {  	[dreg:$0x2] =	wrdreg s24  }
0xaf: {  	[dreg:$0x3] =	wrdreg $0x9  }
0xb0: {  	_ =	task.clear_ibuf [dreg:s6], $0x4FFFF;
	_ =	strace $0x90000046  }
0xb1: {  	s29 =	simm.s32 $0x9;
	_ =	strace $0x80000048  }
0xb2: {  	_ =	swait.ge [sflag:s29], $0x1  }
0xb3: {  	[sflag:s29] =	ssyncadd.s32 $0xFFFFFFFF  }
0xb4: {  	_ =	strace $0x90000048  }
0xb5: {  	_ =	sfence  }
0xb6: {  	s30 =	sld [smem:$0x0];
	_ =	sdelay $0x2  }
0xb7: {  	s31 =	sshll.u32 s1, $0xD;
	s1 =	sshrl.u32 s1, $0x2  }
0xb8: {  	s3 =	sand.u32 $0x4000, s31;
	s1 =	sadd.s32 s1, s30  }
0xb9: {  	s0 =	sor.u32 s3, s0;
	s1 =	sshll.u32 s1, $0x11  }
0xba: {  	s0 =	sor.u32 s1, s0  }
0xbb: {  	s0 =	sadd.s32 $0x8F2B, s0  }
0xbc: {  	[sflag:s0] =	ssyncadd.remote.s32 $0x1  }
0xbd: {  	_ =	sfence.sel $0xFFFF  }
0xbe: {  	[dreg:$0x0] =	wrdreg $0xFFFFFFFF;
	(pc) =	sbr.abs _section_cstart, $3  }
0xbf: {  	[dreg:$0x1] =	wrdreg $0xFFFFFFFF  }
0xc0: {  	_ =	task.clear_ibuf [dreg:s6], $0x2FFFF;
	_ =	strace $0x9FFFFFFF  }
0xc1: {  	(tm) =	ssettm $0x7FFFFFFF  }
tec
execute0_lowered:
.L_overlay_start_1:
0x0: {  	(tag) =	ssettag $0x1  }
0x1: {  	s0 =	rddreg [dreg:$0x0]  }
0x2: {  	s1 =	srdreg.scid;
	s3 =	stileid.u32;
	s2 =	simm.s32 $0x0  }
0x3: {  	s29 =	simm.s32 $0x12000;
	s30 =	simm.s32 $0xA000;
	s28 =	simm.s32 $0x3  }
0x4: {  	s31 =	simm.s32 $0x5;
	s1 =	sand.u32 $0x1, s1;
	s3 =	sshll.u32 s3, $0xD  }
0x5: {  	[smem:$0x7FF] =	sst s2;
	s8 =	sadd.s32 $0xCB000, s0;
	s4 =	sshll.u32 s1, $0xC  }
0x6: {  	_ =	strace $0x80000047;
	s1 =	ssub.s32 $0x2, s1;
	s5 =	sor.u32 s4, s3  }
0x7: {  	s3 =	sadd.s32 $0x7A00, s0;
	s4 =	sadd.s32 $0x251A00, s0;
	s9 =	sshrl.u32 s1, $0x1  }
0x8: {  	s7 =	sshrl.u32 s5, $0x3;
	s1 =	ssub.s32 s1, s9;
	s26 =	sshll.u32 s5, $0x3  }
0x9: {  	s9 =	sor.u32 $0x200, s5;
	s11 =	sor.u32 $0x400, s5;
	s14 =	sor.u32 $0x600, s5  }
0xa: {  	s17 =	sor.u32 $0x800, s5;
	s19 =	sor.u32 $0xA00, s5;
	s22 =	sor.u32 $0xC00, s5  }
0xb: {  	s6 =	sadd.s32 s7, s0;
	s0 =	sadd.s32 $0x1CB000, s0;
	s1 =	smax.u32 s1, $0x1  }
0xc: {  	s10 =	sshll.u32 s9, $0x3;
	s12 =	sshll.u32 s11, $0x3;
	s13 =	sshrl.u32 s11, $0x3  }
0xd: {  	s15 =	sshll.u32 s14, $0x3;
	s18 =	sshll.u32 s17, $0x3;
	s20 =	sshll.u32 s19, $0x3  }
0xe: {  	s21 =	sshrl.u32 s19, $0x3;
	s23 =	sshll.u32 s22, $0x3;
	s24 =	sshrl.u32 s22, $0x3  }
0xf: {  	s11 =	simm.s32 $0x0;
	s6 =	sadd.s32 $0x3A00, s6;
	[dreg:$0x3] =	wrdreg s1  }
0x10: {  	s1 =	sadd.s32 s8, s26;
	s7 =	sadd.s32 s0, s7;
	[dreg:$0x2] =	wrdreg s6  }
0x11: {  	s19 =	sadd.s32 s0, s21;
	s21 =	sadd.s32 s0, s24;
	[dreg:$0x4] =	wrdreg s1  }
0x12: {  	s24 =	simm.s32 $0x9;
	s6 =	sshrl.u32 s5, $0xB;
	[dreg:$0x5] =	wrdreg s7  }
0x13: {  	s1 =	sshrl.u32 s9, $0x3;
	s7 =	sadd.s32 s8, s10;
	s5 =	sor.u32 $0xE00, s5  }
0x14: {  	s9 =	simm.s32 $0x6;
	s10 =	simm.s32 $0x8;
	[dreg:$0x6] =	wrdreg s7  }
0x15: {  	s1 =	sadd.s32 s0, s1;
	s7 =	sshrl.u32 s14, $0x3;
	s25 =	sshll.u32 s5, $0x3  }
0x16: {  	s26 =	sshrl.u32 s5, $0x3;
	s5 =	simm.s32 $0x7;
	[dreg:$0x7] =	wrdreg s1  }
0x17: {  	s1 =	sadd.s32 s8, s12;
	s16 =	sadd.s32 s0, s7;
	s22 =	sadd.s32 s8, s25  }
0x18: {  	s25 =	simm.s32 $0x200;
	s7 =	simm.s32 $0x2;
	[dreg:$0x8] =	wrdreg s1  }
0x19: {  	s1 =	sadd.s32 s0, s13;
	[dreg:$0xb] =	wrdreg s16;
	s16 =	sadd.s32 s8, s18  }
0x1a: {  	s18 =	sadd.s32 s8, s20;
	s20 =	sadd.s32 s8, s23;
	s23 =	sadd.s32 s0, s26  }
0x1b: {  	s26 =	simm.s32 $0x2000;
	[dreg:$0x9] =	wrdreg s1;
	s1 =	sadd.s32 s8, s15  }
0x1c: {  	s8 =	simm.s32 $0x4;
	[dreg:$0xa] =	wrdreg s1;
	s1 =	sshrl.u32 s17, $0x3  }
0x1d: {  	s17 =	sadd.s32 s0, s1;
	s0 =	simm.s32 $0x12200;
	s1 =	simm.s32 $0x1  }
.LBB2_1:
0x1e: {  	s12 =	rddreg [dreg:$0x2]  }
0x1f: {  	[tilespmem:s2], [sflag:$0x9] =	stream.linear.gather [hbm4b:s12+s2], $0x1000, $0x38;
	[tilespmem:$0x12400] =	vst v63  }
0x20: {  	_ =	swait.ge [sflag:s24], $0x1000  }
0x21: {  	[sflag:s24] =	ssyncset.done $0x0  }
0x22: {  	s13 =	simm.s32 $0x40;
	[sflag:s24] =	ssyncadd.s32 $0xFFFFF000  }
0x23: {  	v0 =	vld [tilespmem:s13+$0xFFFFFFC0];
	_ =	sdelay $0x1  }
0x24: {  	s15 =	sadd.s32 $0x0, s6  }
0x25: {  	s14 =	smul.u32 $0x186A0, s15;
	_ =	sdelay $0x1  }
0x26: {  	s12 =	simm.s32 $0x1040;
	v0 =	vadd.s32 s14, v0  }
0x27: {  	[tilespmem:s12+$0xFFFFFFC0] =	vst v0  }
0x28: {  	v0 =	vld [tilespmem:s13+$0xFFFFFFD0];
	_ =	sdelay $0x4  }
0x29: {  	v0 =	vadd.s32 s14, v0  }
0x2a: {  	[tilespmem:s12+$0xFFFFFFD0] =	vst v0  }
0x2b: {  	v0 =	vld [tilespmem:s13+$0xFFFFFFE0];
	_ =	sdelay $0x4  }
0x2c: {  	v0 =	vadd.s32 s14, v0  }
0x2d: {  	[tilespmem:s12+$0xFFFFFFE0] =	vst v0  }
0x2e: {  	v0 =	vld [tilespmem:s13+$0xFFFFFFF0];
	_ =	sdelay $0x4  }
0x2f: {  	v0 =	vadd.s32 s14, v0  }
0x30: {  	[tilespmem:s12+$0xFFFFFFF0] =	vst v0  }
0x31: {  	v0 =	vld [tilespmem:s13+$0x0];
	_ =	sdelay $0x4  }
0x32: {  	v0 =	vadd.s32 s14, v0  }
0x33: {  	[tilespmem:s12+$0x0] =	vst v0  }
0x34: {  	v0 =	vld [tilespmem:s13+$0x10];
	_ =	sdelay $0x4  }
0x35: {  	v0 =	vadd.s32 s14, v0  }
0x36: {  	[tilespmem:s12+$0x10] =	vst v0  }
0x37: {  	v0 =	vld [tilespmem:s13+$0x20];
	_ =	sdelay $0x4  }
0x38: {  	v0 =	vadd.s32 s14, v0  }
0x39: {  	[tilespmem:s12+$0x20] =	vst v0  }
0x3a: {  	v0 =	vld [tilespmem:s13+$0x30];
	_ =	sdelay $0x4  }
0x3b: {  	v0 =	vadd.s32 s14, v0  }
0x3c: {  	s13 =	simm.s32 $0x0;
	s14 =	simm.s32 $0xC0;
	[tilespmem:s12+$0x30] =	vst v0  }
.LBB2_2:
0x3d: {  	s13 =	sadd.s32 $0x8, s13;
	v0 =	vld [tilespmem:s14+$0xFFFFFFC0]  }
0x3e: {  	s15 =	sshrl.u32 s13, $0x7;
	p0 =	slt.u32 s13, $0xF8  }
0x3f: {  	s15 =	sadd.s32 s6, s15  }
0x40: {  	s15 =	smul.u32 $0x186A0, s15;
	_ =	sdelay $0x1  }
0x41: {  	s12 =	sadd.s32 $0x80, s12;
	v0 =	vadd.s32 s15, v0  }
0x42: {  	[tilespmem:s12+$0xFFFFFFC0] =	vst v0  }
0x43: {  	v0 =	vld [tilespmem:s14+$0xFFFFFFD0];
	_ =	sdelay $0x4  }
0x44: {  	v0 =	vadd.s32 s15, v0  }
0x45: {  	[tilespmem:s12+$0xFFFFFFD0] =	vst v0  }
0x46: {  	v0 =	vld [tilespmem:s14+$0xFFFFFFE0];
	_ =	sdelay $0x4  }
0x47: {  	v0 =	vadd.s32 s15, v0  }
0x48: {  	[tilespmem:s12+$0xFFFFFFE0] =	vst v0  }
0x49: {  	v0 =	vld [tilespmem:s14+$0xFFFFFFF0];
	_ =	sdelay $0x4  }
0x4a: {  	v0 =	vadd.s32 s15, v0  }
0x4b: {  	[tilespmem:s12+$0xFFFFFFF0] =	vst v0  }
0x4c: {  	v0 =	vld [tilespmem:s14+$0x0];
	_ =	sdelay $0x4  }
0x4d: {  	v0 =	vadd.s32 s15, v0  }
0x4e: {  	[tilespmem:s12+$0x0] =	vst v0  }
0x4f: {  	v0 =	vld [tilespmem:s14+$0x10];
	_ =	sdelay $0x4  }
0x50: {  	v0 =	vadd.s32 s15, v0  }
0x51: {  	[tilespmem:s12+$0x10] =	vst v0  }
0x52: {  	v0 =	vld [tilespmem:s14+$0x20];
	_ =	sdelay $0x4  }
0x53: {  	v0 =	vadd.s32 s15, v0  }
0x54: {  	[tilespmem:s12+$0x20] =	vst v0  }
0x55: {  	v0 =	vld [tilespmem:s14+$0x30];
	_ =	sdelay $0x1  }
.Ltmp0:
0x56: {  	(pc) =	sbr.rel @p0 .LBB2_2-.Ltmp0, $3  }
0x57: {  	_ =	sdelay $0x1  }
0x58: {  	v0 =	vadd.s32 s15, v0  }
0x59: {  	s14 =	sadd.s32 $0x80, s14;
	[tilespmem:s12+$0x30] =	vst v0  }
0x5a: {  	[tilespmem:s26], [sflag:$0x1] =	stream.indirect.gather [hbm4b:s4+s25], $0x40, s2, s25, $0xb8;
	[tilespmem:$0x12400] =	vst v63  }
0x5b: {  	s12 =	simm.s32 $0x1000  }
0x5c: {  	[tilespmem:s29], [sflag:$0x3] =	stream.indirect.gather [hbm4b:s3+s25], $0x1, s12, s25, $0xb8;
	[tilespmem:$0x12400] =	vst v63  }
0x5d: {  	_ = 	snop  }
0x5e: {  	[tilespmem:s30], [sflag:$0x2] =	stream.indirect.gather [hbm4b:s4+s25], $0x40, s25, s25, $0xb8;
	[tilespmem:$0x12400] =	vst v63  }
0x5f: {  	s15 =	simm.s32 $0x1200  }
0x60: {  	[tilespmem:s0], [sflag:$0x4] =	stream.indirect.gather [hbm4b:s3+s25], $0x1, s15, s25, $0xb8;
	[tilespmem:$0x12400] =	vst v63  }
0x61: {  	_ =	swait.ge [sflag:s1], $0x8000  }
0x62: {  	[sflag:s1] =	ssyncset.done $0x0  }
0x63: {  	[sflag:s1] =	ssyncadd.s32 $0xFFFF8000  }
0x64: {  	_ =	swait.ge [sflag:s28], $0x200  }
0x65: {  	[sflag:s28] =	ssyncset.done $0x0  }
0x66: {  	s13 =	rddreg [dreg:$0x4];
	[sflag:s28] =	ssyncadd.s32 $0xFFFFFE00  }
0x67: {  	[hbm4b:s13+s2] =	stream.linear.scatter [tilespmem:s26], [sflag:$0x5], $0x8000, $0x38;
	[tilespmem:$0x12400] =	vst v63  }
0x68: {  	s14 =	rddreg [dreg:$0x5]  }
0x69: {  	[hbm4b:s14+s2] =	stream.linear.scatter [tilespmem:s29], [sflag:$0x7], $0x200, $0x38;
	[tilespmem:$0x12400] =	vst v63  }
0x6a: {  	_ =	swait.ge [sflag:s31], $0x8000  }
0x6b: {  	[sflag:s31] =	ssyncset.done $0x0  }
0x6c: {  	[sflag:s31] =	ssyncadd.s32 $0xFFFF8000  }
0x6d: {  	_ =	swait.ge [sflag:s5], $0x200  }
0x6e: {  	[sflag:s5] =	ssyncset.done $0x0  }
0x6f: {  	s15 =	simm.s32 $0x400;
	[sflag:s5] =	ssyncadd.s32 $0xFFFFFE00  }
0x70: {  	[tilespmem:s26], [sflag:$0x1] =	stream.indirect.gather [hbm4b:s4+s25], $0x40, s15, s25, $0xb8;
	[tilespmem:$0x12400] =	vst v63  }
0x71: {  	s13 =	simm.s32 $0x1400  }
0x72: {  	[tilespmem:s29], [sflag:$0x3] =	stream.indirect.gather [hbm4b:s3+s25], $0x1, s13, s25, $0xb8;
	[tilespmem:$0x12400] =	vst v63  }
0x73: {  	_ =	swait.ge [sflag:s7], $0x8000  }
0x74: {  	[sflag:s7] =	ssyncset.done $0x0  }
0x75: {  	[sflag:s7] =	ssyncadd.s32 $0xFFFF8000  }
0x76: {  	_ =	swait.ge [sflag:s8], $0x200  }
0x77: {  	[sflag:s8] =	ssyncset.done $0x0  }
0x78: {  	s14 =	rddreg [dreg:$0x6];
	[sflag:s8] =	ssyncadd.s32 $0xFFFFFE00  }
0x79: {  	[hbm4b:s14+s2] =	stream.linear.scatter [tilespmem:s30], [sflag:$0x6], $0x8000, $0x38;
	[tilespmem:$0x12400] =	vst v63  }
0x7a: {  	s15 =	rddreg [dreg:$0x7]  }
0x7b: {  	[hbm4b:s15+s2] =	stream.linear.scatter [tilespmem:s0], [sflag:$0x8], $0x200, $0x38;
	[tilespmem:$0x12400] =	vst v63  }
0x7c: {  	_ =	swait.ge [sflag:s9], $0x8000  }
0x7d: {  	[sflag:s9] =	ssyncset.done $0x0  }
0x7e: {  	[sflag:s9] =	ssyncadd.s32 $0xFFFF8000  }
0x7f: {  	_ =	swait.ge [sflag:s10], $0x200  }
0x80: {  	[sflag:s10] =	ssyncset.done $0x0  }
0x81: {  	s13 =	simm.s32 $0x600;
	[sflag:s10] =	ssyncadd.s32 $0xFFFFFE00  }
0x82: {  	[tilespmem:s30], [sflag:$0x2] =	stream.indirect.gather [hbm4b:s4+s25], $0x40, s13, s25, $0xb8;
	[tilespmem:$0x12400] =	vst v63  }
0x83: {  	s14 =	simm.s32 $0x1600  }
0x84: {  	[tilespmem:s0], [sflag:$0x4] =	stream.indirect.gather [hbm4b:s3+s25], $0x1, s14, s25, $0xb8;
	[tilespmem:$0x12400] =	vst v63  }
0x85: {  	_ =	swait.ge [sflag:s1], $0x8000  }
0x86: {  	[sflag:s1] =	ssyncset.done $0x0  }
0x87: {  	[sflag:s1] =	ssyncadd.s32 $0xFFFF8000  }
0x88: {  	_ =	swait.ge [sflag:s28], $0x200  }
0x89: {  	[sflag:s28] =	ssyncset.done $0x0  }
0x8a: {  	s15 =	rddreg [dreg:$0x8];
	[sflag:s28] =	ssyncadd.s32 $0xFFFFFE00  }
0x8b: {  	[hbm4b:s15+s2] =	stream.linear.scatter [tilespmem:s26], [sflag:$0x5], $0x8000, $0x38;
	[tilespmem:$0x12400] =	vst v63  }
0x8c: {  	s13 =	rddreg [dreg:$0x9]  }
0x8d: {  	[hbm4b:s13+s2] =	stream.linear.scatter [tilespmem:s29], [sflag:$0x7], $0x200, $0x38;
	[tilespmem:$0x12400] =	vst v63  }
0x8e: {  	_ =	swait.ge [sflag:s31], $0x8000  }
0x8f: {  	[sflag:s31] =	ssyncset.done $0x0  }
0x90: {  	[sflag:s31] =	ssyncadd.s32 $0xFFFF8000  }
0x91: {  	_ =	swait.ge [sflag:s5], $0x200  }
0x92: {  	[sflag:s5] =	ssyncset.done $0x0  }
0x93: {  	s14 =	simm.s32 $0x800;
	[sflag:s5] =	ssyncadd.s32 $0xFFFFFE00  }
0x94: {  	[tilespmem:s26], [sflag:$0x1] =	stream.indirect.gather [hbm4b:s4+s25], $0x40, s14, s25, $0xb8;
	[tilespmem:$0x12400] =	vst v63  }
0x95: {  	s15 =	simm.s32 $0x1800  }
0x96: {  	[tilespmem:s29], [sflag:$0x3] =	stream.indirect.gather [hbm4b:s3+s25], $0x1, s15, s25, $0xb8;
	[tilespmem:$0x12400] =	vst v63  }
0x97: {  	_ =	swait.ge [sflag:s7], $0x8000  }
0x98: {  	[sflag:s7] =	ssyncset.done $0x0  }
0x99: {  	[sflag:s7] =	ssyncadd.s32 $0xFFFF8000  }
0x9a: {  	_ =	swait.ge [sflag:s8], $0x200  }
0x9b: {  	[sflag:s8] =	ssyncset.done $0x0  }
0x9c: {  	s13 =	rddreg [dreg:$0xa];
	[sflag:s8] =	ssyncadd.s32 $0xFFFFFE00  }
0x9d: {  	[hbm4b:s13+s2] =	stream.linear.scatter [tilespmem:s30], [sflag:$0x6], $0x8000, $0x38;
	[tilespmem:$0x12400] =	vst v63  }
0x9e: {  	s14 =	rddreg [dreg:$0xb]  }
0x9f: {  	[hbm4b:s14+s2] =	stream.linear.scatter [tilespmem:s0], [sflag:$0x8], $0x200, $0x38;
	[tilespmem:$0x12400] =	vst v63  }
0xa0: {  	_ =	swait.ge [sflag:s9], $0x8000  }
0xa1: {  	[sflag:s9] =	ssyncset.done $0x0  }
0xa2: {  	[sflag:s9] =	ssyncadd.s32 $0xFFFF8000  }
0xa3: {  	_ =	swait.ge [sflag:s10], $0x200  }
0xa4: {  	[sflag:s10] =	ssyncset.done $0x0  }
0xa5: {  	s15 =	simm.s32 $0xA00;
	[sflag:s10] =	ssyncadd.s32 $0xFFFFFE00  }
0xa6: {  	[tilespmem:s30], [sflag:$0x2] =	stream.indirect.gather [hbm4b:s4+s25], $0x40, s15, s25, $0xb8;
	[tilespmem:$0x12400] =	vst v63  }
0xa7: {  	s13 =	simm.s32 $0x1A00  }
0xa8: {  	[tilespmem:s0], [sflag:$0x4] =	stream.indirect.gather [hbm4b:s3+s25], $0x1, s13, s25, $0xb8;
	[tilespmem:$0x12400] =	vst v63  }
0xa9: {  	_ =	swait.ge [sflag:s1], $0x8000  }
0xaa: {  	[sflag:s1] =	ssyncset.done $0x0  }
0xab: {  	[sflag:s1] =	ssyncadd.s32 $0xFFFF8000  }
0xac: {  	_ =	swait.ge [sflag:s28], $0x200  }
0xad: {  	[sflag:s28] =	ssyncset.done $0x0  }
0xae: {  	[sflag:s28] =	ssyncadd.s32 $0xFFFFFE00  }
0xaf: {  	[hbm4b:s16+s2] =	stream.linear.scatter [tilespmem:s26], [sflag:$0x5], $0x8000, $0x38;
	[tilespmem:$0x12400] =	vst v63  }
0xb0: {  	_ = 	snop  }
0xb1: {  	[hbm4b:s17+s2] =	stream.linear.scatter [tilespmem:s29], [sflag:$0x7], $0x200, $0x38;
	[tilespmem:$0x12400] =	vst v63  }
0xb2: {  	_ =	swait.ge [sflag:s31], $0x8000  }
0xb3: {  	[sflag:s31] =	ssyncset.done $0x0  }
0xb4: {  	[sflag:s31] =	ssyncadd.s32 $0xFFFF8000  }
0xb5: {  	_ =	swait.ge [sflag:s5], $0x200  }
0xb6: {  	[sflag:s5] =	ssyncset.done $0x0  }
0xb7: {  	s14 =	simm.s32 $0xC00;
	[sflag:s5] =	ssyncadd.s32 $0xFFFFFE00  }
0xb8: {  	[tilespmem:s26], [sflag:$0x1] =	stream.indirect.gather [hbm4b:s4+s25], $0x40, s14, s25, $0xb8;
	[tilespmem:$0x12400] =	vst v63  }
0xb9: {  	s15 =	simm.s32 $0x1C00  }
0xba: {  	[tilespmem:s29], [sflag:$0x3] =	stream.indirect.gather [hbm4b:s3+s25], $0x1, s15, s25, $0xb8;
	[tilespmem:$0x12400] =	vst v63  }
0xbb: {  	_ =	swait.ge [sflag:s7], $0x8000  }
0xbc: {  	[sflag:s7] =	ssyncset.done $0x0  }
0xbd: {  	[sflag:s7] =	ssyncadd.s32 $0xFFFF8000  }
0xbe: {  	_ =	swait.ge [sflag:s8], $0x200  }
0xbf: {  	[sflag:s8] =	ssyncset.done $0x0  }
0xc0: {  	[sflag:s8] =	ssyncadd.s32 $0xFFFFFE00  }
0xc1: {  	[hbm4b:s18+s2] =	stream.linear.scatter [tilespmem:s30], [sflag:$0x6], $0x8000, $0x38;
	[tilespmem:$0x12400] =	vst v63  }
0xc2: {  	_ = 	snop  }
0xc3: {  	[hbm4b:s19+s2] =	stream.linear.scatter [tilespmem:s0], [sflag:$0x8], $0x200, $0x38;
	[tilespmem:$0x12400] =	vst v63  }
0xc4: {  	_ =	swait.ge [sflag:s9], $0x8000  }
0xc5: {  	[sflag:s9] =	ssyncset.done $0x0  }
0xc6: {  	[sflag:s9] =	ssyncadd.s32 $0xFFFF8000  }
0xc7: {  	_ =	swait.ge [sflag:s10], $0x200  }
0xc8: {  	[sflag:s10] =	ssyncset.done $0x0  }
0xc9: {  	s13 =	simm.s32 $0xE00;
	[sflag:s10] =	ssyncadd.s32 $0xFFFFFE00  }
0xca: {  	[tilespmem:s30], [sflag:$0x2] =	stream.indirect.gather [hbm4b:s4+s25], $0x40, s13, s25, $0xb8;
	[tilespmem:$0x12400] =	vst v63  }
0xcb: {  	s14 =	simm.s32 $0x1E00  }
0xcc: {  	[tilespmem:s0], [sflag:$0x4] =	stream.indirect.gather [hbm4b:s3+s25], $0x1, s14, s25, $0xb8;
	[tilespmem:$0x12400] =	vst v63  }
0xcd: {  	_ =	swait.ge [sflag:s1], $0x8000  }
0xce: {  	[sflag:s1] =	ssyncset.done $0x0  }
0xcf: {  	[sflag:s1] =	ssyncadd.s32 $0xFFFF8000  }
0xd0: {  	_ =	swait.ge [sflag:s28], $0x200  }
0xd1: {  	[sflag:s28] =	ssyncset.done $0x0  }
0xd2: {  	[sflag:s28] =	ssyncadd.s32 $0xFFFFFE00  }
0xd3: {  	[hbm4b:s20+s2] =	stream.linear.scatter [tilespmem:s26], [sflag:$0x5], $0x8000, $0x38;
	[tilespmem:$0x12400] =	vst v63  }
0xd4: {  	_ = 	snop  }
0xd5: {  	[hbm4b:s21+s2] =	stream.linear.scatter [tilespmem:s29], [sflag:$0x7], $0x200, $0x38;
	[tilespmem:$0x12400] =	vst v63  }
0xd6: {  	_ =	swait.ge [sflag:s7], $0x8000  }
0xd7: {  	[sflag:s7] =	ssyncset.done $0x0  }
0xd8: {  	[sflag:s7] =	ssyncadd.s32 $0xFFFF8000  }
0xd9: {  	_ =	swait.ge [sflag:s8], $0x200  }
0xda: {  	[sflag:s8] =	ssyncset.done $0x0  }
0xdb: {  	[sflag:s8] =	ssyncadd.s32 $0xFFFFFE00  }
0xdc: {  	[hbm4b:s22+s2] =	stream.linear.scatter [tilespmem:s30], [sflag:$0x6], $0x8000, $0x38;
	[tilespmem:$0x12400] =	vst v63  }
0xdd: {  	_ = 	snop  }
0xde: {  	[hbm4b:s23+s2] =	stream.linear.scatter [tilespmem:s0], [sflag:$0x8], $0x200, $0x38;
	[tilespmem:$0x12400] =	vst v63  }
0xdf: {  	_ =	swait.ge [sflag:s31], $0x8000  }
0xe0: {  	[sflag:s31] =	ssyncset.done $0x0  }
0xe1: {  	[sflag:s31] =	ssyncadd.s32 $0xFFFF8000  }
0xe2: {  	_ =	swait.ge [sflag:s5], $0x200  }
0xe3: {  	[sflag:s5] =	ssyncset.done $0x0  }
0xe4: {  	[sflag:s5] =	ssyncadd.s32 $0xFFFFFE00  }
0xe5: {  	_ =	swait.ge [sflag:s9], $0x8000  }
0xe6: {  	[sflag:s9] =	ssyncset.done $0x0  }
0xe7: {  	[sflag:s9] =	ssyncadd.s32 $0xFFFF8000  }
0xe8: {  	_ =	swait.ge [sflag:s10], $0x200  }
0xe9: {  	s11 =	sadd.s32 $0x1, s11;
	s15 =	rddreg [dreg:$0x3]  }
0xea: {  	p0 =	sne.s32 s11, s15  }
.Ltmp1:
0xeb: {  	_ = 	snop;
	(pc) =	sbr.rel @p0 .LBB2_1-.Ltmp1, $3  }
0xec: {  	_ =	sdelay $0x1  }
0xed: {  	[sflag:s10] =	ssyncset.done $0x0  }
0xee: {  	[sflag:s10] =	ssyncadd.s32 $0xFFFFFE00  }
0xef: {  	_ =	sfence.sel $0x180000  }
0xf0: {  	[bflag:$0x0] =	sbarrier.arrive $0xFFFF  }
0xf1: {  	_ =	strace $0x90000047  }
0xf2: {  	s0 =	stileid.u32;
	[bflag:$0x2] =	sbarrier.arrive $0xFFFF  }
0xf3: {  	p0 =	sne.s32 s0, $0x0;
	s0 =	rddreg [dreg:$0x1]  }
0xf4: {  	s0 =	sadd.s32 @!p0 $0x100000, s0  }
0xf5: {  	[sflag:s0] =	ssyncadd.tile.s32 @!p0 $0x1;
	_ =	shalt  }
.Lfunc_end2:
_tile_overlayer_lowered:
.L_overlay_start_2:
0xf6: {  	(tag) =	ssettag $0x2  }
0xf7: {  	s0 =	rddreg [dreg:$0x0];
	s2 =	stileid.u32  }
0xf8: {  	s1 =	rddreg [dreg:$0x1];
	p0 =	sne.s32 s2, $0x0  }
0xf9: {  	s3 =	rddreg [dreg:$0x2];
	[bflag:$0x3] =	sbarrier.arrive $0xFFFF;
	s2 =	simm.s32 @!p0 $0x1C09  }
0xfa: {  	[timem:s3], [sflag:s2] =	dma.local @!p0 [hbm:s0], s1  }
0xfb: {  	s0 =	simm.s32 @!p0 $0x9  }
0xfc: {  	_ =	swait.ge @!p0 [sflag:s0], s1  }
0xfd: {  	s1 =	ssub.s32 @!p0 $0x0, s1;
	[sflag:s0] =	ssyncset.done @!p0 $0x0  }
0xfe: {  	[sflag:s0] =	ssyncadd.s32 @!p0 s1  }
0xff: {  	[bflag:$0x3] =	sbarrier.arrive $0xFFFF  }
0x100: {  	_ =	shalt  }

// kernel: kernel.9.cloned.1.call-start
scs
__scs_entry_jumppad:
0x0: {  	(pc) =	sbr.rel $0x88, $3  }
0x1: {  	(tag) =	ssettag $0x0;
	lr =	simm.s32 $0x1  }
0x2: {  	[smem:$0x3F95] =	sst lr;
	_ =	strace $0xD0000000  }
0x3: {  	_ = 	snop  }
0x4: {  	_ = 	snop  }
0x5: {  	_ = 	snop  }
0x6: {  	_ = 	snop  }
0x7: {  	_ = 	snop  }
__scs_overlays_trampoline_lowered:
0x8: {  	[smem:$0x3FA4] =	sst s0  }
0x9: {  	[smem:$0x3FA5] =	sst s1  }
0xa: {  	[smem:$0x3FA6] =	sst s2  }
0xb: {  	[smem:$0x3FA7] =	sst s3  }
0xc: {  	[smem:$0x3FA8] =	sst s4  }
0xd: {  	[smem:$0x3FA9] =	sst s5  }
0xe: {  	[smem:$0x3FAA] =	sst s6  }
0xf: {  	[smem:$0x3FAB] =	sst s7  }
0x10: {  	[smem:$0x3FAC] =	sst s8  }
0x11: {  	[smem:$0x3FAD] =	sst s9;
	s0 =	simm.s32 @!p0 $0x0  }
0x12: {  	s1 =	sld [smem:$0x3F93];
	s0 =	simm.s32 @p0 $0x1  }
0x13: {  	[smem:$0x3FAE] =	sst s0;
	s0 =	simm.s32 @!p1 $0x0  }
0x14: {  	s2 =	sld [smem:$0x3F92];
	s0 =	simm.s32 @p1 $0x1  }
0x15: {  	[smem:$0x3FAF] =	sst s0;
	s0 =	simm.s32 @!p2 $0x0  }
0x16: {  	s3 =	sld [smem:$0x3FDB];
	s0 =	simm.s32 @p2 $0x1  }
0x17: {  	s4 =	simm.s32 $0x1BF5;
	[smem:$0x3FB1] =	sst s0  }
0x18: {  	s0 =	sld [smem:$0x3F94];
	_ =	swait.ge [sflag:s4], $0x0  }
0x19: {  	s7 =	sld [smem:$0x3F95]  }
0x1a: {  	s8 =	sadd.s32 $0xFFFFE003, lr  }
0x1b: {  	s9 =	sadd.s32 $0xFFFFFEF7, lr;
	s5 =	simm.s32 $0xFFFFFFFF;
	p2 =	slt.u32 s8, $0xFFFFF086  }
0x1c: {  	p1 =	slt.u32 s9, $0xF7A;
	s5 =	simm.s32 @!p2 $0x0  }
0x1d: {  	s5 =	simm.s32 @p1 $0x1;
	p0 =	seq.s32 s7, s2  }
0x1e: {  	s7 =	smul.u32 @!p0 $0xF7A, s2;
	p2 =	seq.s32 @!p0 s5, $0x0  }
0x1f: {  	s9 =	smul.u32 $0xF7A, s1;
	s8 =	simm.s32 @!p0 $0x1BF5;
	p2 =	por !p2, p0  }
0x20: {  	[sflag:s8] =	ssyncset.s32 @!p0 $0xFFFFF086;
	s6 =	sadd.s32 @!p0 s3, s7;
	s7 =	simm.s32 @!p0 $0x108  }
0x21: {  	s3 =	sadd.s32 s3, s9;
	s6 =	sadd.s32 @!p0 $0x88, s6;
	s7 =	simm.s32 @p2 $0x1082  }
0x22: {  	[simem:s7], [sflag:s8] =	dma.local @!p0 [hbm:s6], $0xF7A  }
0x23: {  	s9 =	sor.u32 $0xD0000000, s2;
	s6 =	simm.s32 $0x108;
	_ =	swait.ge @!p0 [sflag:s8], $0x0  }
0x24: {  	s3 =	sadd.s32 $0x88, s3;
	s6 =	simm.s32 @!p1 $0x1082;
	[sflag:s4] =	ssyncset.s32 $0xFFFFF086  }
0x25: {  	[simem:s6], [sflag:s4] =	dma.local [hbm:s3], $0xF7A  }
0x26: {  	[smem:$0x3F95] =	sst s1;
	(tag) =	ssettag s2;
	_ =	strace s9  }
0x27: {  	s1 =	sld [smem:$0x3FA5]  }
0x28: {  	s2 =	sld [smem:$0x3FA6]  }
0x29: {  	s4 =	sld [smem:$0x3FA8]  }
0x2a: {  	p0 =	seq.s32 s5, $0x0;
	s5 =	sld [smem:$0x3FA9]  }
0x2b: {  	s6 =	sld [smem:$0x3FAA]  }
0x2c: {  	s7 =	sld [smem:$0x3FAB]  }
0x2d: {  	s3 =	simm.s32 $0x108;
	s8 =	sld [smem:$0x3FAC]  }
0x2e: {  	s3 =	simm.s32 @!p0 $0x1082;
	s9 =	sld [smem:$0x3FAD]  }
0x2f: {  	lr =	sadd.s32 s0, s3;
	s0 =	sld [smem:$0x3FA4]  }
0x30: {  	s3 =	sld [smem:$0x3FA7]  }
0x31: {  	[smem:$0x3FB0] =	sst s10  }
0x32: {  	s10 =	sld [smem:$0x3FAE];
	_ =	sdelay $0x3  }
0x33: {  	p0 =	seq.s32 s10, $0x1;
	s10 =	sld [smem:$0x3FB0];
	_ =	sdelay $0x3  }
0x34: {  	[smem:$0x3FB0] =	sst s10  }
0x35: {  	s10 =	sld [smem:$0x3FAF];
	_ =	sdelay $0x3  }
0x36: {  	p1 =	seq.s32 s10, $0x1;
	s10 =	sld [smem:$0x3FB0];
	_ =	sdelay $0x3  }
0x37: {  	[smem:$0x3FB0] =	sst s10  }
0x38: {  	s10 =	sld [smem:$0x3FB1]  }
0x39: {  	_ = 	snop;
	(pc) =	sbr.ind lr, $3  }
0x3a: {  	_ = 	snop  }
0x3b: {  	_ = 	snop  }
0x3c: {  	p2 =	seq.s32 s10, $0x1;
	s10 =	sld [smem:$0x3FB0]  }
0x3d: {  	_ =	shalt  }
0x3e: {  	_ =	shalt  }
0x3f: {  	_ =	shalt  }
0x40: {  	_ =	shalt  }
0x41: {  	_ =	shalt  }
0x42: {  	_ =	shalt  }
0x43: {  	_ =	shalt  }
0x44: {  	_ =	shalt  }
0x45: {  	_ =	shalt  }
0x46: {  	_ =	shalt  }
0x47: {  	_ =	shalt  }
0x48: {  	_ =	shalt  }
0x49: {  	_ =	shalt  }
0x4a: {  	_ =	shalt  }
0x4b: {  	_ =	shalt  }
0x4c: {  	_ =	shalt  }
0x4d: {  	_ =	shalt  }
0x4e: {  	_ =	shalt  }
0x4f: {  	_ =	shalt  }
0x50: {  	_ =	shalt  }
0x51: {  	_ =	shalt  }
0x52: {  	_ =	shalt  }
0x53: {  	_ =	shalt  }
0x54: {  	_ =	shalt  }
0x55: {  	_ =	shalt  }
0x56: {  	_ =	shalt  }
0x57: {  	_ =	shalt  }
0x58: {  	_ =	shalt  }
0x59: {  	_ =	shalt  }
0x5a: {  	_ =	shalt  }
0x5b: {  	_ =	shalt  }
0x5c: {  	_ =	shalt  }
0x5d: {  	_ =	shalt  }
0x5e: {  	_ =	shalt  }
0x5f: {  	_ =	shalt  }
0x60: {  	_ =	shalt  }
0x61: {  	_ =	shalt  }
0x62: {  	_ =	shalt  }
0x63: {  	_ =	shalt  }
0x64: {  	_ =	shalt  }
0x65: {  	_ =	shalt  }
0x66: {  	_ =	shalt  }
0x67: {  	_ =	shalt  }
0x68: {  	_ =	shalt  }
0x69: {  	_ =	shalt  }
0x6a: {  	_ =	shalt  }
0x6b: {  	_ =	shalt  }
0x6c: {  	_ =	shalt  }
0x6d: {  	_ =	shalt  }
0x6e: {  	_ =	shalt  }
0x6f: {  	_ =	shalt  }
0x70: {  	_ =	shalt  }
0x71: {  	_ =	shalt  }
0x72: {  	_ =	shalt  }
0x73: {  	_ =	shalt  }
0x74: {  	_ =	shalt  }
0x75: {  	_ =	shalt  }
0x76: {  	_ =	shalt  }
0x77: {  	_ =	shalt  }
0x78: {  	_ =	shalt  }
0x79: {  	_ =	shalt  }
0x7a: {  	_ =	shalt  }
0x7b: {  	_ =	shalt  }
0x7c: {  	_ =	shalt  }
0x7d: {  	_ =	shalt  }
0x7e: {  	_ =	shalt  }
0x7f: {  	_ =	shalt  }
0x80: {  	_ =	shalt  }
0x81: {  	_ =	shalt  }
0x82: {  	_ =	shalt  }
0x83: {  	_ =	shalt  }
0x84: {  	_ =	shalt  }
0x85: {  	_ =	shalt  }
0x86: {  	_ =	shalt  }
0x87: {  	_ =	shalt  }
.Lfunc_end0:
.L_simem_size_0:
called_computation.1_lowered:
.L_overlay_start_0:
0x88: {  	s2 =	sld [smem:$0x3FD9]  }
0x89: {  	s3 =	sld [smem:$0x3FFE];
	_ =	sdelay $0x1  }
0x8a: {  	s1 =	srdreg.scid  }
0x8b: {  	s0 =	sand.u32 $0x1, s1  }
0x8c: {  	s17 =	sshll.u32 s0, $0xA;
	s2 =	sadd.s32 s3, s2  }
0x8d: {  	s2 =	sadd.s32 s2, s17  }
0x8e: {  	[smem:$0x3FBC] =	sst s2  }
0x8f: {  	_ = 	snop  }
0x90: {  	s2 =	sld [smem:$0x3FD0];
	(tm) =	ssettm $0x1  }
0x91: {  	s18 =	sld [smem:$0x3FFB];
	_ =	sdelay $0x3  }
0x92: {  	_ =	strace s18  }
0x93: {  	s3 =	sld [smem:$0x3FFC];
	_ =	sdelay $0x3  }
0x94: {  	_ =	strace s3  }
0x95: {  	s3 =	sld [smem:$0x3FFD];
	_ =	sdelay $0x3  }
0x96: {  	_ =	strace s3  }
0x97: {  	_ =	strace $0x8FFFFFFF  }
0x98: {  	s19 =	sld [smem:$0x3FDB];
	_ =	sdelay $0x1  }
0x99: {  	s4 =	simm.s32 $_scs_section_size  }
0x9a: {  	s5 =	simm.s32 $_size__tile_overlayer_lowered;
	s6 =	simm.s32 $_tile_overlayer_lowered  }
0x9b: {  	s22 =	simm.s32 $0x1BFF;
	s21 =	sshll.u32 s6, $0x1;
	s3 =	sadd.s32 s4, s19  }
0x9c: {  	s7 =	simm.s32 $0x0;
	s20 =	sshll.u32 s5, $0x1;
	s5 =	sadd.s32 s21, s3  }
0x9d: {  	[timem:s7], [sflag:s22] =	dma.local [hbm:s5], s20  }
0x9e: {  	_ =	swait.ge [sflag:s22], s20  }
0x9f: {  	s4 =	ssub.s32 $0x0, s20;
	[sflag:s22] =	ssyncset.done $0x0  }
0xa0: {  	[sflag:s22] =	ssyncadd.s32 s4;
	_ =	sdelay $0x1  }
0xa1: {  	s23 =	simm.s32 $0x1B8B  }
0xa2: {  	_ =	swait.ge [sflag:s23], $0x1  }
0xa3: {  	[sflag:s23] =	ssyncset.done $0x0  }
0xa4: {  	s25 =	simm.s32 $0x1B8E;
	s24 =	sld [smem:$0x3FFE];
	[sflag:s23] =	ssyncadd.s32 $0xFFFFFFFF  }
0xa5: {  	s26 =	simm.s32 $execute0_lowered;
	[smem:$0x3FD2] =	sst s25  }
0xa6: {  	s5 =	sshll.u32 s26, $0x1;
	_ =	strace $0x80000049;
	[dreg:$0x1] =	wrdreg $0xFFFFFFFF  }
0xa7: {  	s28 =	simm.s32 $_size_execute0_lowered;
	s3 =	sadd.s32 s3, s5;
	[dreg:$0x0] =	wrdreg $0x0  }
0xa8: {  	s5 =	sshll.u32 s28, $0x1;
	[dreg:$0x2] =	wrdreg s3  }
0xa9: {  	[dreg:$0x3] =	wrdreg s5  }
0xaa: {  	[dreg:$0x4] =	wrdreg $0xC0  }
0xab: {  	_ =	task [dreg:s7], $0x5FFFF  }
0xac: {  	[dreg:$0x1] =	wrdreg $0xFFFFFFFF  }
0xad: {  	[dreg:$0x0] =	wrdreg $0x60  }
0xae: {  	[dreg:$0x2] =	wrdreg s24  }
0xaf: {  	[dreg:$0x3] =	wrdreg s2  }
0xb0: {  	[dreg:$0x4] =	wrdreg $0x9  }
0xb1: {  	_ =	task.clear_ibuf [dreg:s7], $0x5FFFF;
	_ =	strace $0x90000049  }
0xb2: {  	s29 =	simm.s32 $0x9;
	_ =	strace $0x8000004B  }
0xb3: {  	_ =	swait.ge [sflag:s29], $0x1  }
0xb4: {  	[sflag:s29] =	ssyncadd.s32 $0xFFFFFFFF  }
0xb5: {  	_ =	strace $0x9000004B  }
0xb6: {  	_ =	sfence  }
0xb7: {  	s30 =	sld [smem:$0x0];
	_ =	sdelay $0x2  }
0xb8: {  	s31 =	sshll.u32 s1, $0xD;
	s1 =	sshrl.u32 s1, $0x2  }
0xb9: {  	s3 =	sand.u32 $0x4000, s31;
	s1 =	sadd.s32 s1, s30  }
0xba: {  	s0 =	sor.u32 s3, s0;
	s1 =	sshll.u32 s1, $0x11  }
0xbb: {  	s0 =	sor.u32 s1, s0  }
0xbc: {  	s0 =	sadd.s32 $0x8F2B, s0  }
0xbd: {  	[sflag:s0] =	ssyncadd.remote.s32 $0x1  }
0xbe: {  	_ =	sfence.sel $0xFFFF  }
0xbf: {  	[dreg:$0x0] =	wrdreg $0xFFFFFFFF;
	(pc) =	sbr.abs _section_cstart, $3  }
0xc0: {  	[dreg:$0x1] =	wrdreg $0xFFFFFFFF  }
0xc1: {  	_ =	task.clear_ibuf [dreg:s7], $0x2FFFF;
	_ =	strace $0x9FFFFFFF  }
0xc2: {  	(tm) =	ssettm $0x7FFFFFFF  }
0xc3: {  	_ =	shalt  }
tec
execute0_lowered:
.L_overlay_start_1:
0x0: {  	(tag) =	ssettag $0x1  }
0x1: {  	s3 =	rddreg [dreg:$0x0]  }
0x2: {  	s5 =	rddreg [dreg:$0x1];
	s2 =	srdreg.scid  }
0x3: {  	s0 =	rddreg [dreg:$0x2];
	s1 =	stileid.u32;
	s10 =	simm.s32 $0x1000  }
0x4: {  	s11 =	simm.s32 $0x1;
	s12 =	simm.s32 $0x0;
	s4 =	sand.u32 $0x1, s2  }
0x5: {  	s2 =	simm.s32 $0x0;
	s6 =	sshll.u32 s1, $0xD;
	s7 =	sshll.u32 s4, $0xC  }
0x6: {  	[smem:$0x7FF] =	sst s2;
	s4 =	ssub.s32 $0x2, s4;
	s6 =	sor.u32 s7, s6  }
0x7: {  	_ =	strace $0x8000004A;
	s8 =	sshrl.u32 s4, $0x1;
	s7 =	sshrl.u32 s6, $0x3  }
0x8: {  	s8 =	ssub.s32 s4, s8;
	s6 =	sshrl.u32 s6, $0xB;
	s9 =	sadd.s32 s7, s3  }
0x9: {  	s3 =	sadd.s32 $0x315000, s3;
	s5 =	sadd.s32 s5, s7;
	s7 =	smax.u32 s8, $0x1  }
0xa: {  	s8 =	simm.s32 $0x2;
	s4 =	sadd.s32 $0x3A00, s9;
	s9 =	simm.s32 $0x2000  }
.LBB2_1:
0xb: {  	[tilespmem:s2], [sflag:$0x2] =	stream.linear.gather [hbm4b:s4+s2], $0x1000, $0x38;
	[tilespmem:$0x3000] =	vst v63  }
0xc: {  	_ =	swait.ge [sflag:s8], $0x1000  }
0xd: {  	[sflag:s8] =	ssyncset.done $0x0  }
0xe: {  	[sflag:s8] =	ssyncadd.s32 $0xFFFFF000  }
0xf: {  	[tilespmem:s9], [sflag:$0x2] =	stream.linear.gather [hbm4b:s5+s2], $0x1000, $0x38;
	[tilespmem:$0x3000] =	vst v63  }
0x10: {  	_ =	swait.ge [sflag:s8], $0x1000  }
0x11: {  	[sflag:s8] =	ssyncset.done $0x0  }
0x12: {  	s14 =	simm.s32 $0x40;
	[sflag:s8] =	ssyncadd.s32 $0xFFFFF000  }
0x13: {  	v0 =	vld [tilespmem:s14+$0xFFFFFFC0];
	_ =	sdelay $0x1  }
0x14: {  	s13 =	sadd.s32 $0x0, s6  }
0x15: {  	s15 =	smul.u32 $0x186A0, s13;
	_ =	sdelay $0x1  }
0x16: {  	s13 =	simm.s32 $0x1040;
	v0 =	vadd.s32 s15, v0  }
0x17: {  	[tilespmem:s13+$0xFFFFFFC0] =	vst v0  }
0x18: {  	v0 =	vld [tilespmem:s14+$0xFFFFFFD0];
	_ =	sdelay $0x4  }
0x19: {  	v0 =	vadd.s32 s15, v0  }
0x1a: {  	[tilespmem:s13+$0xFFFFFFD0] =	vst v0  }
0x1b: {  	v0 =	vld [tilespmem:s14+$0xFFFFFFE0];
	_ =	sdelay $0x4  }
0x1c: {  	v0 =	vadd.s32 s15, v0  }
0x1d: {  	[tilespmem:s13+$0xFFFFFFE0] =	vst v0  }
0x1e: {  	v0 =	vld [tilespmem:s14+$0xFFFFFFF0];
	_ =	sdelay $0x4  }
0x1f: {  	v0 =	vadd.s32 s15, v0  }
0x20: {  	[tilespmem:s13+$0xFFFFFFF0] =	vst v0  }
0x21: {  	v0 =	vld [tilespmem:s14+$0x0];
	_ =	sdelay $0x4  }
0x22: {  	v0 =	vadd.s32 s15, v0  }
0x23: {  	[tilespmem:s13+$0x0] =	vst v0  }
0x24: {  	v0 =	vld [tilespmem:s14+$0x10];
	_ =	sdelay $0x4  }
0x25: {  	v0 =	vadd.s32 s15, v0  }
0x26: {  	[tilespmem:s13+$0x10] =	vst v0  }
0x27: {  	v0 =	vld [tilespmem:s14+$0x20];
	_ =	sdelay $0x4  }
0x28: {  	v0 =	vadd.s32 s15, v0  }
0x29: {  	[tilespmem:s13+$0x20] =	vst v0  }
0x2a: {  	v0 =	vld [tilespmem:s14+$0x30];
	_ =	sdelay $0x4  }
0x2b: {  	v0 =	vadd.s32 s15, v0  }
0x2c: {  	s14 =	simm.s32 $0x0;
	s15 =	simm.s32 $0xC0;
	[tilespmem:s13+$0x30] =	vst v0  }
.LBB2_2:
0x2d: {  	s14 =	sadd.s32 $0x8, s14;
	v0 =	vld [tilespmem:s15+$0xFFFFFFC0]  }
0x2e: {  	s16 =	sshrl.u32 s14, $0x7;
	p0 =	slt.u32 s14, $0xF8  }
0x2f: {  	s16 =	sadd.s32 s6, s16  }
0x30: {  	s16 =	smul.u32 $0x186A0, s16;
	_ =	sdelay $0x1  }
0x31: {  	s13 =	sadd.s32 $0x80, s13;
	v0 =	vadd.s32 s16, v0  }
0x32: {  	[tilespmem:s13+$0xFFFFFFC0] =	vst v0  }
0x33: {  	v0 =	vld [tilespmem:s15+$0xFFFFFFD0];
	_ =	sdelay $0x4  }
0x34: {  	v0 =	vadd.s32 s16, v0  }
0x35: {  	[tilespmem:s13+$0xFFFFFFD0] =	vst v0  }
0x36: {  	v0 =	vld [tilespmem:s15+$0xFFFFFFE0];
	_ =	sdelay $0x4  }
0x37: {  	v0 =	vadd.s32 s16, v0  }
0x38: {  	[tilespmem:s13+$0xFFFFFFE0] =	vst v0  }
0x39: {  	v0 =	vld [tilespmem:s15+$0xFFFFFFF0];
	_ =	sdelay $0x4  }
0x3a: {  	v0 =	vadd.s32 s16, v0  }
0x3b: {  	[tilespmem:s13+$0xFFFFFFF0] =	vst v0  }
0x3c: {  	v0 =	vld [tilespmem:s15+$0x0];
	_ =	sdelay $0x4  }
0x3d: {  	v0 =	vadd.s32 s16, v0  }
0x3e: {  	[tilespmem:s13+$0x0] =	vst v0  }
0x3f: {  	v0 =	vld [tilespmem:s15+$0x10];
	_ =	sdelay $0x4  }
0x40: {  	v0 =	vadd.s32 s16, v0  }
0x41: {  	[tilespmem:s13+$0x10] =	vst v0  }
0x42: {  	v0 =	vld [tilespmem:s15+$0x20];
	_ =	sdelay $0x4  }
0x43: {  	v0 =	vadd.s32 s16, v0  }
0x44: {  	[tilespmem:s13+$0x20] =	vst v0  }
0x45: {  	v0 =	vld [tilespmem:s15+$0x30];
	_ =	sdelay $0x1  }
.Ltmp0:
0x46: {  	(pc) =	sbr.rel @p0 .LBB2_2-.Ltmp0, $3  }
0x47: {  	_ =	sdelay $0x1  }
0x48: {  	v0 =	vadd.s32 s16, v0  }
0x49: {  	s15 =	sadd.s32 $0x80, s15;
	[tilespmem:s13+$0x30] =	vst v0  }
0x4a: {  	s12 =	sadd.s32 $0x1, s12  }
0x4b: {  	p0 =	sne.s32 s12, s7  }
.Ltmp1:
0x4c: {  	_ = 	snop;
	(pc) =	sbr.rel @p0 .LBB2_1-.Ltmp1, $4  }
0x4d: {  	[hbm4b:s3+s10] =	stream.indirect.scatter [tilespmem:s9], [sflag:$0x1], $0x1, s10, s10, $0xb8;
	[tilespmem:$0x3000] =	vst v63  }
0x4e: {  	_ =	swait.ge [sflag:s11], $0x1000  }
0x4f: {  	[sflag:s11] =	ssyncset.done $0x0  }
0x50: {  	[sflag:s11] =	ssyncadd.s32 $0xFFFFF000  }
0x51: {  	_ =	sfence.sel $0x180000  }
0x52: {  	[bflag:$0x0] =	sbarrier.arrive $0xFFFF  }
0x53: {  	p0 =	sne.s32 s1, $0x0;
	_ =	strace $0x9000004A  }
0x54: {  	s0 =	sadd.s32 @!p0 $0x100000, s0;
	[bflag:$0x2] =	sbarrier.arrive $0xFFFF  }
0x55: {  	[sflag:s0] =	ssyncadd.tile.s32 @!p0 $0x1;
	_ =	shalt  }
.Lfunc_end2:
_tile_overlayer_lowered:
.L_overlay_start_2:
0x56: {  	(tag) =	ssettag $0x2  }
0x57: {  	s0 =	rddreg [dreg:$0x0];
	s2 =	stileid.u32  }
0x58: {  	s1 =	rddreg [dreg:$0x1];
	p0 =	sne.s32 s2, $0x0  }
0x59: {  	s3 =	rddreg [dreg:$0x2];
	[bflag:$0x3] =	sbarrier.arrive $0xFFFF;
	s2 =	simm.s32 @!p0 $0x1C02  }
0x5a: {  	[timem:s3], [sflag:s2] =	dma.local @!p0 [hbm:s0], s1  }
0x5b: {  	s0 =	simm.s32 @!p0 $0x2  }
0x5c: {  	_ =	swait.ge @!p0 [sflag:s0], s1  }
0x5d: {  	s1 =	ssub.s32 @!p0 $0x0, s1;
	[sflag:s0] =	ssyncset.done @!p0 $0x0  }
0x5e: {  	[sflag:s0] =	ssyncadd.s32 @!p0 s1  }
0x5f: {  	[bflag:$0x3] =	sbarrier.arrive $0xFFFF  }
0x60: {  	_ =	shalt  }

</sc_bundles>
